<compile_context>
chip_gen: v7x
topology: tpu7x:2x2x1
jax: 0.10.2.dev20260603
libtpu: 0.0.44.dev20260713+nightly
codegen_flags: <defaults>
</compile_context>

<pallas_src>
import functools

import jax
import jax.numpy as jnp
from jax import lax
from jax.experimental import pallas as pl
from jax.experimental.pallas import tpu as pltpu
from jax.experimental.pallas import tpu_sc as plsc

BATCH = 16384
IN_DIM = 128
EMB_DIM = 18
RMIN = 64
RMAX = 71
NPATCH = RMAX - RMIN

L = 16
NC = 2
NS = 16
NW = NC * NS
ROWS_PER_W = BATCH // NW
CHUNK = 256
NCHUNKS = ROWS_PER_W // CHUNK


def _sc_planes(x_hbm, cb_hbm, out_hbm, x_v, cb_v, patch_v, sem, psem):
    wid = lax.axis_index("s") * NC + lax.axis_index("c")
    pltpu.sync_copy(cb_hbm, cb_v)

    iota = lax.iota(jnp.int32, L)
    mask_patch = iota < NPATCH

    row0 = wid * ROWS_PER_W

    def chunk_body(c, carry):
        base = row0 + c * CHUNK
        pltpu.sync_copy(x_hbm.at[pl.ds(base, CHUNK)], x_v)

        copies = []
        for j in range(EMB_DIM):
            copies.append(
                pltpu.async_copy(
                    x_v,
                    out_hbm.at[j, pl.ds(base, CHUNK)],
                    sem,
                )
            )

        @pl.when(c > 0)
        def _():
            pltpu.make_async_copy(
                patch_v,
                out_hbm.at[
                    pl.ds(0, EMB_DIM), pl.ds(base, CHUNK), pl.ds(RMIN, L)
                ],
                psem,
            ).wait()

        def row_body(r, rcarry):
            xv = x_v[r, pl.ds(RMIN, L)]
            ci = xv.astype(jnp.int32) * EMB_DIM
            for j in range(EMB_DIM):
                emb = plsc.load_gather(cb_v, [ci + j])
                patch_v[j, r] = jnp.where(mask_patch, emb, xv)
            return rcarry

        lax.fori_loop(0, CHUNK, row_body, 0)

        for cp in copies:
            cp.wait()
        pltpu.async_copy(
            patch_v,
            out_hbm.at[pl.ds(0, EMB_DIM), pl.ds(base, CHUNK), pl.ds(RMIN, L)],
            psem,
        )
        return carry

    lax.fori_loop(0, NCHUNKS, chunk_body, 0)
    last = row0 + (NCHUNKS - 1) * CHUNK
    pltpu.make_async_copy(
        patch_v,
        out_hbm.at[pl.ds(0, EMB_DIM), pl.ds(last, CHUNK), pl.ds(RMIN, L)],
        psem,
    ).wait()


@jax.jit
def _run(x, cbf):
    fn = functools.partial(
        pl.kernel,
        mesh=plsc.VectorSubcoreMesh(core_axis_name="c", subcore_axis_name="s"),
        compiler_params=pltpu.CompilerParams(
            needs_layout_passes=False, use_tc_tiling_on_sc=False
        ),
        out_type=jax.ShapeDtypeStruct((EMB_DIM, BATCH, IN_DIM), jnp.float32),
        scratch_types=[
            pltpu.VMEM((CHUNK, IN_DIM), jnp.float32),
            pltpu.VMEM((52 * EMB_DIM,), jnp.float32),
            pltpu.VMEM((EMB_DIM, CHUNK, L), jnp.float32),
            pltpu.SemaphoreType.DMA,
            pltpu.SemaphoreType.DMA,
        ],
    )(_sc_planes)
    return fn(x, cbf)


def kernel(x, card_buffer):
    if x.ndim == 3:
        x = x[:, 0, :]
    cbf = card_buffer.reshape(52 * EMB_DIM)
    out = _run(x, cbf)
    return out.transpose(1, 2, 0)

# --- scband reference (transcript-rebuilt; emitter-appended) ---
"""Pipeline reference for scband-card-embedding-16372415332406 (READ-ONLY COPY).

The authoritative reference and input builder live on the scoring server;
editing this copy changes nothing except your own understanding.
"""

import jax, jax.numpy as jnp
import numpy as np

BATCH = 16384
IN_DIM = 128
EMB_DIM = 18
RANGE_MIN = 64
RANGE_MAX = 71


def _int_to_emb(i):
    # rank one-hot (13) + suit one-hot (4) + bias bit = 18 dims
    e = np.zeros(EMB_DIM, dtype=np.float32)
    e[i // 4] = 1.0
    e[13 + (i % 4)] = 1.0
    e[17] = 1.0
    return e


def setup_inputs(seed: int = 0) -> dict:
    key = jax.random.key(seed)
    x = jax.random.randint(key, (BATCH, IN_DIM), 0, 52).astype(jnp.float32)
    card_buffer = jnp.asarray(np.stack([_int_to_emb(i) for i in range(52)], axis=0))
    return {"x": x, "card_buffer": card_buffer}


def reference(x, card_buffer):
    if x.ndim == 2:
        x = x[:, None, :]
    xs = jax.lax.stop_gradient(x[:, 0, RANGE_MIN:RANGE_MAX]).astype(jnp.int32)
    out = jnp.ones((x.shape[0], IN_DIM, EMB_DIM), dtype=jnp.float32)
    # embedding gather: [B, 7] indices into [52, 18] table -> [B, 7, 18]
    out = out.at[:, RANGE_MIN:RANGE_MAX, :18].set(jnp.take(card_buffer, xs, axis=0))
    out = out.at[:, :RANGE_MIN, :].multiply(jnp.swapaxes(x[:, :, :RANGE_MIN], 1, 2))
    out = out.at[:, RANGE_MAX:IN_DIM, :].multiply(jnp.swapaxes(x[:, :, RANGE_MAX:IN_DIM], 1, 2))
    return out

if __name__ == "__main__":
    import jax
    _d = setup_inputs()
    print(jax.jit(kernel)(*tuple(_d.values())))

</pallas_src>

<mosaic_0001>
#map = affine_map<(d0, d1) -> (0, 0)>
#map1 = affine_map<(d0, d1) -> (0)>
#map2 = affine_map<(d0, d1) -> (0, 0, 0)>
module attributes {stable_mosaic.version = 14 : i64} {
  func.func @_sc_planes(%arg0: i32, %arg1: i32, %arg2: memref<16384x128xf32, #tpu.memory_space<hbm>>, %arg3: memref<936xf32, #tpu.memory_space<hbm>>, %arg4: memref<18x16384x128xf32, #tpu.memory_space<hbm>>, %arg5: memref<256x128xf32, #tpu.memory_space<vmem>>, %arg6: memref<936xf32, #tpu.memory_space<vmem>>, %arg7: memref<18x256x16xf32, #tpu.memory_space<vmem>>, %arg8: memref<!tpu.dma_semaphore, #tpu.memory_space<semaphore_mem>>, %arg9: memref<!tpu.dma_semaphore, #tpu.memory_space<semaphore_mem>>) attributes {dimension_semantics = [#tpu.dimension_semantics<core_parallel>, #tpu.dimension_semantics<subcore_parallel>], iteration_bounds = array<i64: 2, 16>, scalar_prefetch = 0 : i64, scratch_operands = 5 : i64, tpu.core_type = #tpu.core_type<sc_vector_subcore>, window_params = [{transform_indices = #map}, {transform_indices = #map1}, {transform_indices = #map2}]} {
    %mul3A = arith.constant 2 : i32
    %mul3A_0 = arith.muli %arg1, %mul3A : i32
    %add3A = arith.addi %mul3A_0, %arg0 : i32
    "tpu.region"() ({
      %run_scoped3A = tpu.sem_alloc : memref<!tpu.dma_semaphore, #tpu.memory_space<semaphore_mem>>
      tpu.enqueue_dma source(%arg3 : memref<936xf32, #tpu.memory_space<hbm>>) target(%arg6 : memref<936xf32, #tpu.memory_space<vmem>>) target_semaphore(%run_scoped3A : memref<!tpu.dma_semaphore, #tpu.memory_space<semaphore_mem>>)
      tpu.wait_dma2 semaphore(%run_scoped3A : memref<!tpu.dma_semaphore, #tpu.memory_space<semaphore_mem>>) src(%arg3 : memref<936xf32, #tpu.memory_space<hbm>>) dst(%arg6 : memref<936xf32, #tpu.memory_space<vmem>>)
      tpu.yield
    }) : () -> ()
    %iota3A = tpu.iota {dimensions = array<i32: 0>} : vector<16xi32>
    %lt3A = arith.constant 7 : i32
    %lt3A_1 = vector.broadcast %lt3A : i32 to vector<16xi32>
    %lt3A_2 = arith.cmpi slt, %iota3A, %lt3A_1 : vector<16xi32>
    %mul3A_3 = arith.constant 512 : i32
    %mul3A_4 = arith.muli %add3A, %mul3A_3 : i32
    %scan3A = arith.constant 0 : i32
    %scan3A_5 = arith.constant 0 : i32
    %scan3A_6 = arith.constant 2 : i32
    %scan3A_7 = arith.addi %scan3A_5, %scan3A_6 : i32
    %scan3A_8 = arith.constant 1 : i32
    scf.for %scan3A_17 = %scan3A_5 to %scan3A_7 step %scan3A_8  : i32 {
      %mul3A_18 = arith.constant 256 : i32
      %mul3A_19 = arith.muli %scan3A_17, %mul3A_18 : i32
      %add3A_20 = arith.addi %mul3A_4, %mul3A_19 : i32
      "tpu.region"() ({
        %run_scoped3A = tpu.sem_alloc : memref<!tpu.dma_semaphore, #tpu.memory_space<semaphore_mem>>
        %dma_start3A_286 = arith.constant 0 : i32
        %dma_start3A_287 = tpu.memref_slice %arg2[%add3A_20, %dma_start3A_286] : memref<16384x128xf32, #tpu.memory_space<hbm>> -> memref<256x128xf32, #tpu.memory_space<hbm>>
        %dma_start3A_288 = arith.constant 0 : i32
        %dma_start3A_289 = tpu.memref_slice %arg2[%add3A_20, %dma_start3A_288] : memref<16384x128xf32, #tpu.memory_space<hbm>> -> memref<256x128xf32, #tpu.memory_space<hbm>>
        tpu.enqueue_dma source(%dma_start3A_289 : memref<256x128xf32, #tpu.memory_space<hbm>>) target(%arg5 : memref<256x128xf32, #tpu.memory_space<vmem>>) target_semaphore(%run_scoped3A : memref<!tpu.dma_semaphore, #tpu.memory_space<semaphore_mem>>)
        %dma_wait3A_290 = arith.constant 0 : i32
        %dma_wait3A_291 = tpu.memref_slice %arg2[%add3A_20, %dma_wait3A_290] : memref<16384x128xf32, #tpu.memory_space<hbm>> -> memref<256x128xf32, #tpu.memory_space<hbm>>
        %dma_wait3A_292 = arith.constant 0 : i32
        %dma_wait3A_293 = tpu.memref_slice %arg2[%add3A_20, %dma_wait3A_292] : memref<16384x128xf32, #tpu.memory_space<hbm>> -> memref<256x128xf32, #tpu.memory_space<hbm>>
        tpu.wait_dma2 semaphore(%run_scoped3A : memref<!tpu.dma_semaphore, #tpu.memory_space<semaphore_mem>>) src(%dma_wait3A_293 : memref<256x128xf32, #tpu.memory_space<hbm>>) dst(%arg5 : memref<256x128xf32, #tpu.memory_space<vmem>>)
        tpu.yield
      }) : () -> ()
      %dma_start3A = arith.constant 0 : i32
      %dma_start3A_21 = arith.constant 0 : i32
      %dma_start3A_22 = tpu.memref_slice %arg4[%dma_start3A, %add3A_20, %dma_start3A_21] : memref<18x16384x128xf32, #tpu.memory_space<hbm>> -> memref<1x256x128xf32, #tpu.memory_space<hbm>>
      %dma_start3A_23 = tpu.memref_squeeze %dma_start3A_22 : memref<1x256x128xf32, #tpu.memory_space<hbm>> -> memref<256x128xf32, #tpu.memory_space<hbm>>
      %dma_start3A_24 = arith.constant 0 : i32
      %dma_start3A_25 = tpu.memref_slice %arg4[%dma_start3A, %add3A_20, %dma_start3A_24] : memref<18x16384x128xf32, #tpu.memory_space<hbm>> -> memref<1x256x128xf32, #tpu.memory_space<hbm>>
      %dma_start3A_26 = tpu.memref_squeeze %dma_start3A_25 : memref<1x256x128xf32, #tpu.memory_space<hbm>> -> memref<256x128xf32, #tpu.memory_space<hbm>>
      tpu.enqueue_dma source(%arg5 : memref<256x128xf32, #tpu.memory_space<vmem>>) target(%dma_start3A_26 : memref<256x128xf32, #tpu.memory_space<hbm>>) target_semaphore(%arg8 : memref<!tpu.dma_semaphore, #tpu.memory_space<semaphore_mem>>)
      %dma_start3A_27 = arith.constant 1 : i32
      %dma_start3A_28 = arith.constant 0 : i32
      %dma_start3A_29 = tpu.memref_slice %arg4[%dma_start3A_27, %add3A_20, %dma_start3A_28] : memref<18x16384x128xf32, #tpu.memory_space<hbm>> -> memref<1x256x128xf32, #tpu.memory_space<hbm>>
      %dma_start3A_30 = tpu.memref_squeeze %dma_start3A_29 : memref<1x256x128xf32, #tpu.memory_space<hbm>> -> memref<256x128xf32, #tpu.memory_space<hbm>>
      %dma_start3A_31 = arith.constant 0 : i32
      %dma_start3A_32 = tpu.memref_slice %arg4[%dma_start3A_27, %add3A_20, %dma_start3A_31] : memref<18x16384x128xf32, #tpu.memory_space<hbm>> -> memref<1x256x128xf32, #tpu.memory_space<hbm>>
      %dma_start3A_33 = tpu.memref_squeeze %dma_start3A_32 : memref<1x256x128xf32, #tpu.memory_space<hbm>> -> memref<256x128xf32, #tpu.memory_space<hbm>>
      tpu.enqueue_dma source(%arg5 : memref<256x128xf32, #tpu.memory_space<vmem>>) target(%dma_start3A_33 : memref<256x128xf32, #tpu.memory_space<hbm>>) target_semaphore(%arg8 : memref<!tpu.dma_semaphore, #tpu.memory_space<semaphore_mem>>)
      %dma_start3A_34 = arith.constant 2 : i32
      %dma_start3A_35 = arith.constant 0 : i32
      %dma_start3A_36 = tpu.memref_slice %arg4[%dma_start3A_34, %add3A_20, %dma_start3A_35] : memref<18x16384x128xf32, #tpu.memory_space<hbm>> -> memref<1x256x128xf32, #tpu.memory_space<hbm>>
      %dma_start3A_37 = tpu.memref_squeeze %dma_start3A_36 : memref<1x256x128xf32, #tpu.memory_space<hbm>> -> memref<256x128xf32, #tpu.memory_space<hbm>>
      %dma_start3A_38 = arith.constant 0 : i32
      %dma_start3A_39 = tpu.memref_slice %arg4[%dma_start3A_34, %add3A_20, %dma_start3A_38] : memref<18x16384x128xf32, #tpu.memory_space<hbm>> -> memref<1x256x128xf32, #tpu.memory_space<hbm>>
      %dma_start3A_40 = tpu.memref_squeeze %dma_start3A_39 : memref<1x256x128xf32, #tpu.memory_space<hbm>> -> memref<256x128xf32, #tpu.memory_space<hbm>>
      tpu.enqueue_dma source(%arg5 : memref<256x128xf32, #tpu.memory_space<vmem>>) target(%dma_start3A_40 : memref<256x128xf32, #tpu.memory_space<hbm>>) target_semaphore(%arg8 : memref<!tpu.dma_semaphore, #tpu.memory_space<semaphore_mem>>)
      %dma_start3A_41 = arith.constant 3 : i32
      %dma_start3A_42 = arith.constant 0 : i32
      %dma_start3A_43 = tpu.memref_slice %arg4[%dma_start3A_41, %add3A_20, %dma_start3A_42] : memref<18x16384x128xf32, #tpu.memory_space<hbm>> -> memref<1x256x128xf32, #tpu.memory_space<hbm>>
      %dma_start3A_44 = tpu.memref_squeeze %dma_start3A_43 : memref<1x256x128xf32, #tpu.memory_space<hbm>> -> memref<256x128xf32, #tpu.memory_space<hbm>>
      %dma_start3A_45 = arith.constant 0 : i32
      %dma_start3A_46 = tpu.memref_slice %arg4[%dma_start3A_41, %add3A_20, %dma_start3A_45] : memref<18x16384x128xf32, #tpu.memory_space<hbm>> -> memref<1x256x128xf32, #tpu.memory_space<hbm>>
      %dma_start3A_47 = tpu.memref_squeeze %dma_start3A_46 : memref<1x256x128xf32, #tpu.memory_space<hbm>> -> memref<256x128xf32, #tpu.memory_space<hbm>>
      tpu.enqueue_dma source(%arg5 : memref<256x128xf32, #tpu.memory_space<vmem>>) target(%dma_start3A_47 : memref<256x128xf32, #tpu.memory_space<hbm>>) target_semaphore(%arg8 : memref<!tpu.dma_semaphore, #tpu.memory_space<semaphore_mem>>)
      %dma_start3A_48 = arith.constant 4 : i32
      %dma_start3A_49 = arith.constant 0 : i32
      %dma_start3A_50 = tpu.memref_slice %arg4[%dma_start3A_48, %add3A_20, %dma_start3A_49] : memref<18x16384x128xf32, #tpu.memory_space<hbm>> -> memref<1x256x128xf32, #tpu.memory_space<hbm>>
      %dma_start3A_51 = tpu.memref_squeeze %dma_start3A_50 : memref<1x256x128xf32, #tpu.memory_space<hbm>> -> memref<256x128xf32, #tpu.memory_space<hbm>>
      %dma_start3A_52 = arith.constant 0 : i32
      %dma_start3A_53 = tpu.memref_slice %arg4[%dma_start3A_48, %add3A_20, %dma_start3A_52] : memref<18x16384x128xf32, #tpu.memory_space<hbm>> -> memref<1x256x128xf32, #tpu.memory_space<hbm>>
      %dma_start3A_54 = tpu.memref_squeeze %dma_start3A_53 : memref<1x256x128xf32, #tpu.memory_space<hbm>> -> memref<256x128xf32, #tpu.memory_space<hbm>>
      tpu.enqueue_dma source(%arg5 : memref<256x128xf32, #tpu.memory_space<vmem>>) target(%dma_start3A_54 : memref<256x128xf32, #tpu.memory_space<hbm>>) target_semaphore(%arg8 : memref<!tpu.dma_semaphore, #tpu.memory_space<semaphore_mem>>)
      %dma_start3A_55 = arith.constant 5 : i32
      %dma_start3A_56 = arith.constant 0 : i32
      %dma_start3A_57 = tpu.memref_slice %arg4[%dma_start3A_55, %add3A_20, %dma_start3A_56] : memref<18x16384x128xf32, #tpu.memory_space<hbm>> -> memref<1x256x128xf32, #tpu.memory_space<hbm>>
      %dma_start3A_58 = tpu.memref_squeeze %dma_start3A_57 : memref<1x256x128xf32, #tpu.memory_space<hbm>> -> memref<256x128xf32, #tpu.memory_space<hbm>>
      %dma_start3A_59 = arith.constant 0 : i32
      %dma_start3A_60 = tpu.memref_slice %arg4[%dma_start3A_55, %add3A_20, %dma_start3A_59] : memref<18x16384x128xf32, #tpu.memory_space<hbm>> -> memref<1x256x128xf32, #tpu.memory_space<hbm>>
      %dma_start3A_61 = tpu.memref_squeeze %dma_start3A_60 : memref<1x256x128xf32, #tpu.memory_space<hbm>> -> memref<256x128xf32, #tpu.memory_space<hbm>>
      tpu.enqueue_dma source(%arg5 : memref<256x128xf32, #tpu.memory_space<vmem>>) target(%dma_start3A_61 : memref<256x128xf32, #tpu.memory_space<hbm>>) target_semaphore(%arg8 : memref<!tpu.dma_semaphore, #tpu.memory_space<semaphore_mem>>)
      %dma_start3A_62 = arith.constant 6 : i32
      %dma_start3A_63 = arith.constant 0 : i32
      %dma_start3A_64 = tpu.memref_slice %arg4[%dma_start3A_62, %add3A_20, %dma_start3A_63] : memref<18x16384x128xf32, #tpu.memory_space<hbm>> -> memref<1x256x128xf32, #tpu.memory_space<hbm>>
      %dma_start3A_65 = tpu.memref_squeeze %dma_start3A_64 : memref<1x256x128xf32, #tpu.memory_space<hbm>> -> memref<256x128xf32, #tpu.memory_space<hbm>>
      %dma_start3A_66 = arith.constant 0 : i32
      %dma_start3A_67 = tpu.memref_slice %arg4[%dma_start3A_62, %add3A_20, %dma_start3A_66] : memref<18x16384x128xf32, #tpu.memory_space<hbm>> -> memref<1x256x128xf32, #tpu.memory_space<hbm>>
      %dma_start3A_68 = tpu.memref_squeeze %dma_start3A_67 : memref<1x256x128xf32, #tpu.memory_space<hbm>> -> memref<256x128xf32, #tpu.memory_space<hbm>>
      tpu.enqueue_dma source(%arg5 : memref<256x128xf32, #tpu.memory_space<vmem>>) target(%dma_start3A_68 : memref<256x128xf32, #tpu.memory_space<hbm>>) target_semaphore(%arg8 : memref<!tpu.dma_semaphore, #tpu.memory_space<semaphore_mem>>)
      %dma_start3A_69 = arith.constant 7 : i32
      %dma_start3A_70 = arith.constant 0 : i32
      %dma_start3A_71 = tpu.memref_slice %arg4[%dma_start3A_69, %add3A_20, %dma_start3A_70] : memref<18x16384x128xf32, #tpu.memory_space<hbm>> -> memref<1x256x128xf32, #tpu.memory_space<hbm>>
      %dma_start3A_72 = tpu.memref_squeeze %dma_start3A_71 : memref<1x256x128xf32, #tpu.memory_space<hbm>> -> memref<256x128xf32, #tpu.memory_space<hbm>>
      %dma_start3A_73 = arith.constant 0 : i32
      %dma_start3A_74 = tpu.memref_slice %arg4[%dma_start3A_69, %add3A_20, %dma_start3A_73] : memref<18x16384x128xf32, #tpu.memory_space<hbm>> -> memref<1x256x128xf32, #tpu.memory_space<hbm>>
      %dma_start3A_75 = tpu.memref_squeeze %dma_start3A_74 : memref<1x256x128xf32, #tpu.memory_space<hbm>> -> memref<256x128xf32, #tpu.memory_space<hbm>>
      tpu.enqueue_dma source(%arg5 : memref<256x128xf32, #tpu.memory_space<vmem>>) target(%dma_start3A_75 : memref<256x128xf32, #tpu.memory_space<hbm>>) target_semaphore(%arg8 : memref<!tpu.dma_semaphore, #tpu.memory_space<semaphore_mem>>)
      %dma_start3A_76 = arith.constant 8 : i32
      %dma_start3A_77 = arith.constant 0 : i32
      %dma_start3A_78 = tpu.memref_slice %arg4[%dma_start3A_76, %add3A_20, %dma_start3A_77] : memref<18x16384x128xf32, #tpu.memory_space<hbm>> -> memref<1x256x128xf32, #tpu.memory_space<hbm>>
      %dma_start3A_79 = tpu.memref_squeeze %dma_start3A_78 : memref<1x256x128xf32, #tpu.memory_space<hbm>> -> memref<256x128xf32, #tpu.memory_space<hbm>>
      %dma_start3A_80 = arith.constant 0 : i32
      %dma_start3A_81 = tpu.memref_slice %arg4[%dma_start3A_76, %add3A_20, %dma_start3A_80] : memref<18x16384x128xf32, #tpu.memory_space<hbm>> -> memref<1x256x128xf32, #tpu.memory_space<hbm>>
      %dma_start3A_82 = tpu.memref_squeeze %dma_start3A_81 : memref<1x256x128xf32, #tpu.memory_space<hbm>> -> memref<256x128xf32, #tpu.memory_space<hbm>>
      tpu.enqueue_dma source(%arg5 : memref<256x128xf32, #tpu.memory_space<vmem>>) target(%dma_start3A_82 : memref<256x128xf32, #tpu.memory_space<hbm>>) target_semaphore(%arg8 : memref<!tpu.dma_semaphore, #tpu.memory_space<semaphore_mem>>)
      %dma_start3A_83 = arith.constant 9 : i32
      %dma_start3A_84 = arith.constant 0 : i32
      %dma_start3A_85 = tpu.memref_slice %arg4[%dma_start3A_83, %add3A_20, %dma_start3A_84] : memref<18x16384x128xf32, #tpu.memory_space<hbm>> -> memref<1x256x128xf32, #tpu.memory_space<hbm>>
      %dma_start3A_86 = tpu.memref_squeeze %dma_start3A_85 : memref<1x256x128xf32, #tpu.memory_space<hbm>> -> memref<256x128xf32, #tpu.memory_space<hbm>>
      %dma_start3A_87 = arith.constant 0 : i32
      %dma_start3A_88 = tpu.memref_slice %arg4[%dma_start3A_83, %add3A_20, %dma_start3A_87] : memref<18x16384x128xf32, #tpu.memory_space<hbm>> -> memref<1x256x128xf32, #tpu.memory_space<hbm>>
      %dma_start3A_89 = tpu.memref_squeeze %dma_start3A_88 : memref<1x256x128xf32, #tpu.memory_space<hbm>> -> memref<256x128xf32, #tpu.memory_space<hbm>>
      tpu.enqueue_dma source(%arg5 : memref<256x128xf32, #tpu.memory_space<vmem>>) target(%dma_start3A_89 : memref<256x128xf32, #tpu.memory_space<hbm>>) target_semaphore(%arg8 : memref<!tpu.dma_semaphore, #tpu.memory_space<semaphore_mem>>)
      %dma_start3A_90 = arith.constant 10 : i32
      %dma_start3A_91 = arith.constant 0 : i32
      %dma_start3A_92 = tpu.memref_slice %arg4[%dma_start3A_90, %add3A_20, %dma_start3A_91] : memref<18x16384x128xf32, #tpu.memory_space<hbm>> -> memref<1x256x128xf32, #tpu.memory_space<hbm>>
      %dma_start3A_93 = tpu.memref_squeeze %dma_start3A_92 : memref<1x256x128xf32, #tpu.memory_space<hbm>> -> memref<256x128xf32, #tpu.memory_space<hbm>>
      %dma_start3A_94 = arith.constant 0 : i32
      %dma_start3A_95 = tpu.memref_slice %arg4[%dma_start3A_90, %add3A_20, %dma_start3A_94] : memref<18x16384x128xf32, #tpu.memory_space<hbm>> -> memref<1x256x128xf32, #tpu.memory_space<hbm>>
      %dma_start3A_96 = tpu.memref_squeeze %dma_start3A_95 : memref<1x256x128xf32, #tpu.memory_space<hbm>> -> memref<256x128xf32, #tpu.memory_space<hbm>>
      tpu.enqueue_dma source(%arg5 : memref<256x128xf32, #tpu.memory_space<vmem>>) target(%dma_start3A_96 : memref<256x128xf32, #tpu.memory_space<hbm>>) target_semaphore(%arg8 : memref<!tpu.dma_semaphore, #tpu.memory_space<semaphore_mem>>)
      %dma_start3A_97 = arith.constant 11 : i32
      %dma_start3A_98 = arith.constant 0 : i32
      %dma_start3A_99 = tpu.memref_slice %arg4[%dma_start3A_97, %add3A_20, %dma_start3A_98] : memref<18x16384x128xf32, #tpu.memory_space<hbm>> -> memref<1x256x128xf32, #tpu.memory_space<hbm>>
      %dma_start3A_100 = tpu.memref_squeeze %dma_start3A_99 : memref<1x256x128xf32, #tpu.memory_space<hbm>> -> memref<256x128xf32, #tpu.memory_space<hbm>>
      %dma_start3A_101 = arith.constant 0 : i32
      %dma_start3A_102 = tpu.memref_slice %arg4[%dma_start3A_97, %add3A_20, %dma_start3A_101] : memref<18x16384x128xf32, #tpu.memory_space<hbm>> -> memref<1x256x128xf32, #tpu.memory_space<hbm>>
      %dma_start3A_103 = tpu.memref_squeeze %dma_start3A_102 : memref<1x256x128xf32, #tpu.memory_space<hbm>> -> memref<256x128xf32, #tpu.memory_space<hbm>>
      tpu.enqueue_dma source(%arg5 : memref<256x128xf32, #tpu.memory_space<vmem>>) target(%dma_start3A_103 : memref<256x128xf32, #tpu.memory_space<hbm>>) target_semaphore(%arg8 : memref<!tpu.dma_semaphore, #tpu.memory_space<semaphore_mem>>)
      %dma_start3A_104 = arith.constant 12 : i32
      %dma_start3A_105 = arith.constant 0 : i32
      %dma_start3A_106 = tpu.memref_slice %arg4[%dma_start3A_104, %add3A_20, %dma_start3A_105] : memref<18x16384x128xf32, #tpu.memory_space<hbm>> -> memref<1x256x128xf32, #tpu.memory_space<hbm>>
      %dma_start3A_107 = tpu.memref_squeeze %dma_start3A_106 : memref<1x256x128xf32, #tpu.memory_space<hbm>> -> memref<256x128xf32, #tpu.memory_space<hbm>>
      %dma_start3A_108 = arith.constant 0 : i32
      %dma_start3A_109 = tpu.memref_slice %arg4[%dma_start3A_104, %add3A_20, %dma_start3A_108] : memref<18x16384x128xf32, #tpu.memory_space<hbm>> -> memref<1x256x128xf32, #tpu.memory_space<hbm>>
      %dma_start3A_110 = tpu.memref_squeeze %dma_start3A_109 : memref<1x256x128xf32, #tpu.memory_space<hbm>> -> memref<256x128xf32, #tpu.memory_space<hbm>>
      tpu.enqueue_dma source(%arg5 : memref<256x128xf32, #tpu.memory_space<vmem>>) target(%dma_start3A_110 : memref<256x128xf32, #tpu.memory_space<hbm>>) target_semaphore(%arg8 : memref<!tpu.dma_semaphore, #tpu.memory_space<semaphore_mem>>)
      %dma_start3A_111 = arith.constant 13 : i32
      %dma_start3A_112 = arith.constant 0 : i32
      %dma_start3A_113 = tpu.memref_slice %arg4[%dma_start3A_111, %add3A_20, %dma_start3A_112] : memref<18x16384x128xf32, #tpu.memory_space<hbm>> -> memref<1x256x128xf32, #tpu.memory_space<hbm>>
      %dma_start3A_114 = tpu.memref_squeeze %dma_start3A_113 : memref<1x256x128xf32, #tpu.memory_space<hbm>> -> memref<256x128xf32, #tpu.memory_space<hbm>>
      %dma_start3A_115 = arith.constant 0 : i32
      %dma_start3A_116 = tpu.memref_slice %arg4[%dma_start3A_111, %add3A_20, %dma_start3A_115] : memref<18x16384x128xf32, #tpu.memory_space<hbm>> -> memref<1x256x128xf32, #tpu.memory_space<hbm>>
      %dma_start3A_117 = tpu.memref_squeeze %dma_start3A_116 : memref<1x256x128xf32, #tpu.memory_space<hbm>> -> memref<256x128xf32, #tpu.memory_space<hbm>>
      tpu.enqueue_dma source(%arg5 : memref<256x128xf32, #tpu.memory_space<vmem>>) target(%dma_start3A_117 : memref<256x128xf32, #tpu.memory_space<hbm>>) target_semaphore(%arg8 : memref<!tpu.dma_semaphore, #tpu.memory_space<semaphore_mem>>)
      %dma_start3A_118 = arith.constant 14 : i32
      %dma_start3A_119 = arith.constant 0 : i32
      %dma_start3A_120 = tpu.memref_slice %arg4[%dma_start3A_118, %add3A_20, %dma_start3A_119] : memref<18x16384x128xf32, #tpu.memory_space<hbm>> -> memref<1x256x128xf32, #tpu.memory_space<hbm>>
      %dma_start3A_121 = tpu.memref_squeeze %dma_start3A_120 : memref<1x256x128xf32, #tpu.memory_space<hbm>> -> memref<256x128xf32, #tpu.memory_space<hbm>>
      %dma_start3A_122 = arith.constant 0 : i32
      %dma_start3A_123 = tpu.memref_slice %arg4[%dma_start3A_118, %add3A_20, %dma_start3A_122] : memref<18x16384x128xf32, #tpu.memory_space<hbm>> -> memref<1x256x128xf32, #tpu.memory_space<hbm>>
      %dma_start3A_124 = tpu.memref_squeeze %dma_start3A_123 : memref<1x256x128xf32, #tpu.memory_space<hbm>> -> memref<256x128xf32, #tpu.memory_space<hbm>>
      tpu.enqueue_dma source(%arg5 : memref<256x128xf32, #tpu.memory_space<vmem>>) target(%dma_start3A_124 : memref<256x128xf32, #tpu.memory_space<hbm>>) target_semaphore(%arg8 : memref<!tpu.dma_semaphore, #tpu.memory_space<semaphore_mem>>)
      %dma_start3A_125 = arith.constant 15 : i32
      %dma_start3A_126 = arith.constant 0 : i32
      %dma_start3A_127 = tpu.memref_slice %arg4[%dma_start3A_125, %add3A_20, %dma_start3A_126] : memref<18x16384x128xf32, #tpu.memory_space<hbm>> -> memref<1x256x128xf32, #tpu.memory_space<hbm>>
      %dma_start3A_128 = tpu.memref_squeeze %dma_start3A_127 : memref<1x256x128xf32, #tpu.memory_space<hbm>> -> memref<256x128xf32, #tpu.memory_space<hbm>>
      %dma_start3A_129 = arith.constant 0 : i32
      %dma_start3A_130 = tpu.memref_slice %arg4[%dma_start3A_125, %add3A_20, %dma_start3A_129] : memref<18x16384x128xf32, #tpu.memory_space<hbm>> -> memref<1x256x128xf32, #tpu.memory_space<hbm>>
      %dma_start3A_131 = tpu.memref_squeeze %dma_start3A_130 : memref<1x256x128xf32, #tpu.memory_space<hbm>> -> memref<256x128xf32, #tpu.memory_space<hbm>>
      tpu.enqueue_dma source(%arg5 : memref<256x128xf32, #tpu.memory_space<vmem>>) target(%dma_start3A_131 : memref<256x128xf32, #tpu.memory_space<hbm>>) target_semaphore(%arg8 : memref<!tpu.dma_semaphore, #tpu.memory_space<semaphore_mem>>)
      %dma_start3A_132 = arith.constant 16 : i32
      %dma_start3A_133 = arith.constant 0 : i32
      %dma_start3A_134 = tpu.memref_slice %arg4[%dma_start3A_132, %add3A_20, %dma_start3A_133] : memref<18x16384x128xf32, #tpu.memory_space<hbm>> -> memref<1x256x128xf32, #tpu.memory_space<hbm>>
      %dma_start3A_135 = tpu.memref_squeeze %dma_start3A_134 : memref<1x256x128xf32, #tpu.memory_space<hbm>> -> memref<256x128xf32, #tpu.memory_space<hbm>>
      %dma_start3A_136 = arith.constant 0 : i32
      %dma_start3A_137 = tpu.memref_slice %arg4[%dma_start3A_132, %add3A_20, %dma_start3A_136] : memref<18x16384x128xf32, #tpu.memory_space<hbm>> -> memref<1x256x128xf32, #tpu.memory_space<hbm>>
      %dma_start3A_138 = tpu.memref_squeeze %dma_start3A_137 : memref<1x256x128xf32, #tpu.memory_space<hbm>> -> memref<256x128xf32, #tpu.memory_space<hbm>>
      tpu.enqueue_dma source(%arg5 : memref<256x128xf32, #tpu.memory_space<vmem>>) target(%dma_start3A_138 : memref<256x128xf32, #tpu.memory_space<hbm>>) target_semaphore(%arg8 : memref<!tpu.dma_semaphore, #tpu.memory_space<semaphore_mem>>)
      %dma_start3A_139 = arith.constant 17 : i32
      %dma_start3A_140 = arith.constant 0 : i32
      %dma_start3A_141 = tpu.memref_slice %arg4[%dma_start3A_139, %add3A_20, %dma_start3A_140] : memref<18x16384x128xf32, #tpu.memory_space<hbm>> -> memref<1x256x128xf32, #tpu.memory_space<hbm>>
      %dma_start3A_142 = tpu.memref_squeeze %dma_start3A_141 : memref<1x256x128xf32, #tpu.memory_space<hbm>> -> memref<256x128xf32, #tpu.memory_space<hbm>>
      %dma_start3A_143 = arith.constant 0 : i32
      %dma_start3A_144 = tpu.memref_slice %arg4[%dma_start3A_139, %add3A_20, %dma_start3A_143] : memref<18x16384x128xf32, #tpu.memory_space<hbm>> -> memref<1x256x128xf32, #tpu.memory_space<hbm>>
      %dma_start3A_145 = tpu.memref_squeeze %dma_start3A_144 : memref<1x256x128xf32, #tpu.memory_space<hbm>> -> memref<256x128xf32, #tpu.memory_space<hbm>>
      tpu.enqueue_dma source(%arg5 : memref<256x128xf32, #tpu.memory_space<vmem>>) target(%dma_start3A_145 : memref<256x128xf32, #tpu.memory_space<hbm>>) target_semaphore(%arg8 : memref<!tpu.dma_semaphore, #tpu.memory_space<semaphore_mem>>)
      %gt3A = arith.constant 0 : i32
      %gt3A_146 = arith.cmpi sgt, %scan3A_17, %gt3A : i32
      %convert_element_type3A = arith.extui %gt3A_146 : i1 to i32
      %cond3A = arith.constant 0 : i32
      %cond3A_147 = arith.cmpi ne, %convert_element_type3A, %cond3A : i32
      scf.if %cond3A_147 {
        %dma_wait3A_286 = arith.constant 0 : i32
        %dma_wait3A_287 = arith.constant 64 : i32
        %dma_wait3A_288 = tpu.memref_slice %arg4[%dma_wait3A_286, %add3A_20, %dma_wait3A_287] : memref<18x16384x128xf32, #tpu.memory_space<hbm>> -> memref<18x256x16xf32, #tpu.memory_space<hbm>>
        %dma_wait3A_289 = arith.constant 0 : i32
        %dma_wait3A_290 = arith.constant 64 : i32
        %dma_wait3A_291 = tpu.memref_slice %arg4[%dma_wait3A_289, %add3A_20, %dma_wait3A_290] : memref<18x16384x128xf32, #tpu.memory_space<hbm>> -> memref<18x256x16xf32, #tpu.memory_space<hbm>>
        tpu.wait_dma2 semaphore(%arg9 : memref<!tpu.dma_semaphore, #tpu.memory_space<semaphore_mem>>) src(%arg7 : memref<18x256x16xf32, #tpu.memory_space<vmem>>) dst(%dma_wait3A_291 : memref<18x256x16xf32, #tpu.memory_space<hbm>>)
      } else {
      }
      %scan3A_148 = arith.constant 0 : i32
      %scan3A_149 = arith.constant 0 : i32
      %scan3A_150 = arith.constant 256 : i32
      %scan3A_151 = arith.addi %scan3A_149, %scan3A_150 : i32
      %scan3A_152 = arith.constant 1 : i32
      scf.for %scan3A_286 = %scan3A_149 to %scan3A_151 step %scan3A_152  : i32 {
        %get3A = arith.index_cast %scan3A_286 : i32 to index
        %get3A_287 = arith.constant 64 : index
        %get3A_288 = tpu.vector_load %arg5[%get3A, %get3A_287] {strides = array<i32>} : memref<256x128xf32, #tpu.memory_space<vmem>>, vector<16xf32>,
        %convert_element_type3A_289 = arith.fptosi %get3A_288 : vector<16xf32> to vector<16xi32>
        %mul3A_290 = arith.constant 18 : i32
        %mul3A_291 = vector.broadcast %mul3A_290 : i32 to vector<16xi32>
        %mul3A_292 = arith.muli %convert_element_type3A_289, %mul3A_291 : vector<16xi32>
        %add3A_293 = arith.constant 0 : i32
        %add3A_294 = vector.broadcast %add3A_293 : i32 to vector<16xi32>
        %add3A_295 = arith.addi %mul3A_292, %add3A_294 : vector<16xi32>
        %gather3A = tpu.vector_load_idx %arg6[%add3A_295] : memref<936xf32, #tpu.memory_space<vmem>>[vector<16xi32>], vector<16xf32>,
        %select_n3A = arith.select %lt3A_2, %gather3A, %get3A_288 : vector<16xi1>, vector<16xf32>
        %swap3A = arith.constant 0 : i32
        %swap3A_296 = arith.index_cast %swap3A : i32 to index
        %swap3A_297 = arith.index_cast %scan3A_286 : i32 to index
        %swap3A_298 = arith.constant 0 : index
        %swap3A_299 = tpu.vector_load %arg7[%swap3A_296, %swap3A_297, %swap3A_298] {strides = array<i32>} : memref<18x256x16xf32, #tpu.memory_space<vmem>>, vector<16xf32>,
        tpu.vector_store %arg7[%swap3A_296, %swap3A_297, %swap3A_298], %select_n3A {strides = array<i32>} : memref<18x256x16xf32, #tpu.memory_space<vmem>>, vector<16xf32>,
        %add3A_300 = arith.constant 1 : i32
        %add3A_301 = vector.broadcast %add3A_300 : i32 to vector<16xi32>
        %add3A_302 = arith.addi %mul3A_292, %add3A_301 : vector<16xi32>
        %gather3A_303 = tpu.vector_load_idx %arg6[%add3A_302] : memref<936xf32, #tpu.memory_space<vmem>>[vector<16xi32>], vector<16xf32>,
        %select_n3A_304 = arith.select %lt3A_2, %gather3A_303, %get3A_288 : vector<16xi1>, vector<16xf32>
        %swap3A_305 = arith.constant 1 : i32
        %swap3A_306 = arith.index_cast %swap3A_305 : i32 to index
        %swap3A_307 = arith.index_cast %scan3A_286 : i32 to index
        %swap3A_308 = arith.constant 0 : index
        %swap3A_309 = tpu.vector_load %arg7[%swap3A_306, %swap3A_307, %swap3A_308] {strides = array<i32>} : memref<18x256x16xf32, #tpu.memory_space<vmem>>, vector<16xf32>,
        tpu.vector_store %arg7[%swap3A_306, %swap3A_307, %swap3A_308], %select_n3A_304 {strides = array<i32>} : memref<18x256x16xf32, #tpu.memory_space<vmem>>, vector<16xf32>,
        %add3A_310 = arith.constant 2 : i32
        %add3A_311 = vector.broadcast %add3A_310 : i32 to vector<16xi32>
        %add3A_312 = arith.addi %mul3A_292, %add3A_311 : vector<16xi32>
        %gather3A_313 = tpu.vector_load_idx %arg6[%add3A_312] : memref<936xf32, #tpu.memory_space<vmem>>[vector<16xi32>], vector<16xf32>,
        %select_n3A_314 = arith.select %lt3A_2, %gather3A_313, %get3A_288 : vector<16xi1>, vector<16xf32>
        %swap3A_315 = arith.constant 2 : i32
        %swap3A_316 = arith.index_cast %swap3A_315 : i32 to index
        %swap3A_317 = arith.index_cast %scan3A_286 : i32 to index
        %swap3A_318 = arith.constant 0 : index
        %swap3A_319 = tpu.vector_load %arg7[%swap3A_316, %swap3A_317, %swap3A_318] {strides = array<i32>} : memref<18x256x16xf32, #tpu.memory_space<vmem>>, vector<16xf32>,
        tpu.vector_store %arg7[%swap3A_316, %swap3A_317, %swap3A_318], %select_n3A_314 {strides = array<i32>} : memref<18x256x16xf32, #tpu.memory_space<vmem>>, vector<16xf32>,
        %add3A_320 = arith.constant 3 : i32
        %add3A_321 = vector.broadcast %add3A_320 : i32 to vector<16xi32>
        %add3A_322 = arith.addi %mul3A_292, %add3A_321 : vector<16xi32>
        %gather3A_323 = tpu.vector_load_idx %arg6[%add3A_322] : memref<936xf32, #tpu.memory_space<vmem>>[vector<16xi32>], vector<16xf32>,
        %select_n3A_324 = arith.select %lt3A_2, %gather3A_323, %get3A_288 : vector<16xi1>, vector<16xf32>
        %swap3A_325 = arith.constant 3 : i32
        %swap3A_326 = arith.index_cast %swap3A_325 : i32 to index
        %swap3A_327 = arith.index_cast %scan3A_286 : i32 to index
        %swap3A_328 = arith.constant 0 : index
        %swap3A_329 = tpu.vector_load %arg7[%swap3A_326, %swap3A_327, %swap3A_328] {strides = array<i32>} : memref<18x256x16xf32, #tpu.memory_space<vmem>>, vector<16xf32>,
        tpu.vector_store %arg7[%swap3A_326, %swap3A_327, %swap3A_328], %select_n3A_324 {strides = array<i32>} : memref<18x256x16xf32, #tpu.memory_space<vmem>>, vector<16xf32>,
        %add3A_330 = arith.constant 4 : i32
        %add3A_331 = vector.broadcast %add3A_330 : i32 to vector<16xi32>
        %add3A_332 = arith.addi %mul3A_292, %add3A_331 : vector<16xi32>
        %gather3A_333 = tpu.vector_load_idx %arg6[%add3A_332] : memref<936xf32, #tpu.memory_space<vmem>>[vector<16xi32>], vector<16xf32>,
        %select_n3A_334 = arith.select %lt3A_2, %gather3A_333, %get3A_288 : vector<16xi1>, vector<16xf32>
        %swap3A_335 = arith.constant 4 : i32
        %swap3A_336 = arith.index_cast %swap3A_335 : i32 to index
        %swap3A_337 = arith.index_cast %scan3A_286 : i32 to index
        %swap3A_338 = arith.constant 0 : index
        %swap3A_339 = tpu.vector_load %arg7[%swap3A_336, %swap3A_337, %swap3A_338] {strides = array<i32>} : memref<18x256x16xf32, #tpu.memory_space<vmem>>, vector<16xf32>,
        tpu.vector_store %arg7[%swap3A_336, %swap3A_337, %swap3A_338], %select_n3A_334 {strides = array<i32>} : memref<18x256x16xf32, #tpu.memory_space<vmem>>, vector<16xf32>,
        %add3A_340 = arith.constant 5 : i32
        %add3A_341 = vector.broadcast %add3A_340 : i32 to vector<16xi32>
        %add3A_342 = arith.addi %mul3A_292, %add3A_341 : vector<16xi32>
        %gather3A_343 = tpu.vector_load_idx %arg6[%add3A_342] : memref<936xf32, #tpu.memory_space<vmem>>[vector<16xi32>], vector<16xf32>,
        %select_n3A_344 = arith.select %lt3A_2, %gather3A_343, %get3A_288 : vector<16xi1>, vector<16xf32>
        %swap3A_345 = arith.constant 5 : i32
        %swap3A_346 = arith.index_cast %swap3A_345 : i32 to index
        %swap3A_347 = arith.index_cast %scan3A_286 : i32 to index
        %swap3A_348 = arith.constant 0 : index
        %swap3A_349 = tpu.vector_load %arg7[%swap3A_346, %swap3A_347, %swap3A_348] {strides = array<i32>} : memref<18x256x16xf32, #tpu.memory_space<vmem>>, vector<16xf32>,
        tpu.vector_store %arg7[%swap3A_346, %swap3A_347, %swap3A_348], %select_n3A_344 {strides = array<i32>} : memref<18x256x16xf32, #tpu.memory_space<vmem>>, vector<16xf32>,
        %add3A_350 = arith.constant 6 : i32
        %add3A_351 = vector.broadcast %add3A_350 : i32 to vector<16xi32>
        %add3A_352 = arith.addi %mul3A_292, %add3A_351 : vector<16xi32>
        %gather3A_353 = tpu.vector_load_idx %arg6[%add3A_352] : memref<936xf32, #tpu.memory_space<vmem>>[vector<16xi32>], vector<16xf32>,
        %select_n3A_354 = arith.select %lt3A_2, %gather3A_353, %get3A_288 : vector<16xi1>, vector<16xf32>
        %swap3A_355 = arith.constant 6 : i32
        %swap3A_356 = arith.index_cast %swap3A_355 : i32 to index
        %swap3A_357 = arith.index_cast %scan3A_286 : i32 to index
        %swap3A_358 = arith.constant 0 : index
        %swap3A_359 = tpu.vector_load %arg7[%swap3A_356, %swap3A_357, %swap3A_358] {strides = array<i32>} : memref<18x256x16xf32, #tpu.memory_space<vmem>>, vector<16xf32>,
        tpu.vector_store %arg7[%swap3A_356, %swap3A_357, %swap3A_358], %select_n3A_354 {strides = array<i32>} : memref<18x256x16xf32, #tpu.memory_space<vmem>>, vector<16xf32>,
        %add3A_360 = arith.constant 7 : i32
        %add3A_361 = vector.broadcast %add3A_360 : i32 to vector<16xi32>
        %add3A_362 = arith.addi %mul3A_292, %add3A_361 : vector<16xi32>
        %gather3A_363 = tpu.vector_load_idx %arg6[%add3A_362] : memref<936xf32, #tpu.memory_space<vmem>>[vector<16xi32>], vector<16xf32>,
        %select_n3A_364 = arith.select %lt3A_2, %gather3A_363, %get3A_288 : vector<16xi1>, vector<16xf32>
        %swap3A_365 = arith.constant 7 : i32
        %swap3A_366 = arith.index_cast %swap3A_365 : i32 to index
        %swap3A_367 = arith.index_cast %scan3A_286 : i32 to index
        %swap3A_368 = arith.constant 0 : index
        %swap3A_369 = tpu.vector_load %arg7[%swap3A_366, %swap3A_367, %swap3A_368] {strides = array<i32>} : memref<18x256x16xf32, #tpu.memory_space<vmem>>, vector<16xf32>,
        tpu.vector_store %arg7[%swap3A_366, %swap3A_367, %swap3A_368], %select_n3A_364 {strides = array<i32>} : memref<18x256x16xf32, #tpu.memory_space<vmem>>, vector<16xf32>,
        %add3A_370 = arith.constant 8 : i32
        %add3A_371 = vector.broadcast %add3A_370 : i32 to vector<16xi32>
        %add3A_372 = arith.addi %mul3A_292, %add3A_371 : vector<16xi32>
        %gather3A_373 = tpu.vector_load_idx %arg6[%add3A_372] : memref<936xf32, #tpu.memory_space<vmem>>[vector<16xi32>], vector<16xf32>,
        %select_n3A_374 = arith.select %lt3A_2, %gather3A_373, %get3A_288 : vector<16xi1>, vector<16xf32>
        %swap3A_375 = arith.constant 8 : i32
        %swap3A_376 = arith.index_cast %swap3A_375 : i32 to index
        %swap3A_377 = arith.index_cast %scan3A_286 : i32 to index
        %swap3A_378 = arith.constant 0 : index
        %swap3A_379 = tpu.vector_load %arg7[%swap3A_376, %swap3A_377, %swap3A_378] {strides = array<i32>} : memref<18x256x16xf32, #tpu.memory_space<vmem>>, vector<16xf32>,
        tpu.vector_store %arg7[%swap3A_376, %swap3A_377, %swap3A_378], %select_n3A_374 {strides = array<i32>} : memref<18x256x16xf32, #tpu.memory_space<vmem>>, vector<16xf32>,
        %add3A_380 = arith.constant 9 : i32
        %add3A_381 = vector.broadcast %add3A_380 : i32 to vector<16xi32>
        %add3A_382 = arith.addi %mul3A_292, %add3A_381 : vector<16xi32>
        %gather3A_383 = tpu.vector_load_idx %arg6[%add3A_382] : memref<936xf32, #tpu.memory_space<vmem>>[vector<16xi32>], vector<16xf32>,
        %select_n3A_384 = arith.select %lt3A_2, %gather3A_383, %get3A_288 : vector<16xi1>, vector<16xf32>
        %swap3A_385 = arith.constant 9 : i32
        %swap3A_386 = arith.index_cast %swap3A_385 : i32 to index
        %swap3A_387 = arith.index_cast %scan3A_286 : i32 to index
        %swap3A_388 = arith.constant 0 : index
        %swap3A_389 = tpu.vector_load %arg7[%swap3A_386, %swap3A_387, %swap3A_388] {strides = array<i32>} : memref<18x256x16xf32, #tpu.memory_space<vmem>>, vector<16xf32>,
        tpu.vector_store %arg7[%swap3A_386, %swap3A_387, %swap3A_388], %select_n3A_384 {strides = array<i32>} : memref<18x256x16xf32, #tpu.memory_space<vmem>>, vector<16xf32>,
        %add3A_390 = arith.constant 10 : i32
        %add3A_391 = vector.broadcast %add3A_390 : i32 to vector<16xi32>
        %add3A_392 = arith.addi %mul3A_292, %add3A_391 : vector<16xi32>
        %gather3A_393 = tpu.vector_load_idx %arg6[%add3A_392] : memref<936xf32, #tpu.memory_space<vmem>>[vector<16xi32>], vector<16xf32>,
        %select_n3A_394 = arith.select %lt3A_2, %gather3A_393, %get3A_288 : vector<16xi1>, vector<16xf32>
        %swap3A_395 = arith.constant 10 : i32
        %swap3A_396 = arith.index_cast %swap3A_395 : i32 to index
        %swap3A_397 = arith.index_cast %scan3A_286 : i32 to index
        %swap3A_398 = arith.constant 0 : index
        %swap3A_399 = tpu.vector_load %arg7[%swap3A_396, %swap3A_397, %swap3A_398] {strides = array<i32>} : memref<18x256x16xf32, #tpu.memory_space<vmem>>, vector<16xf32>,
        tpu.vector_store %arg7[%swap3A_396, %swap3A_397, %swap3A_398], %select_n3A_394 {strides = array<i32>} : memref<18x256x16xf32, #tpu.memory_space<vmem>>, vector<16xf32>,
        %add3A_400 = arith.constant 11 : i32
        %add3A_401 = vector.broadcast %add3A_400 : i32 to vector<16xi32>
        %add3A_402 = arith.addi %mul3A_292, %add3A_401 : vector<16xi32>
        %gather3A_403 = tpu.vector_load_idx %arg6[%add3A_402] : memref<936xf32, #tpu.memory_space<vmem>>[vector<16xi32>], vector<16xf32>,
        %select_n3A_404 = arith.select %lt3A_2, %gather3A_403, %get3A_288 : vector<16xi1>, vector<16xf32>
        %swap3A_405 = arith.constant 11 : i32
        %swap3A_406 = arith.index_cast %swap3A_405 : i32 to index
        %swap3A_407 = arith.index_cast %scan3A_286 : i32 to index
        %swap3A_408 = arith.constant 0 : index
        %swap3A_409 = tpu.vector_load %arg7[%swap3A_406, %swap3A_407, %swap3A_408] {strides = array<i32>} : memref<18x256x16xf32, #tpu.memory_space<vmem>>, vector<16xf32>,
        tpu.vector_store %arg7[%swap3A_406, %swap3A_407, %swap3A_408], %select_n3A_404 {strides = array<i32>} : memref<18x256x16xf32, #tpu.memory_space<vmem>>, vector<16xf32>,
        %add3A_410 = arith.constant 12 : i32
        %add3A_411 = vector.broadcast %add3A_410 : i32 to vector<16xi32>
        %add3A_412 = arith.addi %mul3A_292, %add3A_411 : vector<16xi32>
        %gather3A_413 = tpu.vector_load_idx %arg6[%add3A_412] : memref<936xf32, #tpu.memory_space<vmem>>[vector<16xi32>], vector<16xf32>,
        %select_n3A_414 = arith.select %lt3A_2, %gather3A_413, %get3A_288 : vector<16xi1>, vector<16xf32>
        %swap3A_415 = arith.constant 12 : i32
        %swap3A_416 = arith.index_cast %swap3A_415 : i32 to index
        %swap3A_417 = arith.index_cast %scan3A_286 : i32 to index
        %swap3A_418 = arith.constant 0 : index
        %swap3A_419 = tpu.vector_load %arg7[%swap3A_416, %swap3A_417, %swap3A_418] {strides = array<i32>} : memref<18x256x16xf32, #tpu.memory_space<vmem>>, vector<16xf32>,
        tpu.vector_store %arg7[%swap3A_416, %swap3A_417, %swap3A_418], %select_n3A_414 {strides = array<i32>} : memref<18x256x16xf32, #tpu.memory_space<vmem>>, vector<16xf32>,
        %add3A_420 = arith.constant 13 : i32
        %add3A_421 = vector.broadcast %add3A_420 : i32 to vector<16xi32>
        %add3A_422 = arith.addi %mul3A_292, %add3A_421 : vector<16xi32>
        %gather3A_423 = tpu.vector_load_idx %arg6[%add3A_422] : memref<936xf32, #tpu.memory_space<vmem>>[vector<16xi32>], vector<16xf32>,
        %select_n3A_424 = arith.select %lt3A_2, %gather3A_423, %get3A_288 : vector<16xi1>, vector<16xf32>
        %swap3A_425 = arith.constant 13 : i32
        %swap3A_426 = arith.index_cast %swap3A_425 : i32 to index
        %swap3A_427 = arith.index_cast %scan3A_286 : i32 to index
        %swap3A_428 = arith.constant 0 : index
        %swap3A_429 = tpu.vector_load %arg7[%swap3A_426, %swap3A_427, %swap3A_428] {strides = array<i32>} : memref<18x256x16xf32, #tpu.memory_space<vmem>>, vector<16xf32>,
        tpu.vector_store %arg7[%swap3A_426, %swap3A_427, %swap3A_428], %select_n3A_424 {strides = array<i32>} : memref<18x256x16xf32, #tpu.memory_space<vmem>>, vector<16xf32>,
        %add3A_430 = arith.constant 14 : i32
        %add3A_431 = vector.broadcast %add3A_430 : i32 to vector<16xi32>
        %add3A_432 = arith.addi %mul3A_292, %add3A_431 : vector<16xi32>
        %gather3A_433 = tpu.vector_load_idx %arg6[%add3A_432] : memref<936xf32, #tpu.memory_space<vmem>>[vector<16xi32>], vector<16xf32>,
        %select_n3A_434 = arith.select %lt3A_2, %gather3A_433, %get3A_288 : vector<16xi1>, vector<16xf32>
        %swap3A_435 = arith.constant 14 : i32
        %swap3A_436 = arith.index_cast %swap3A_435 : i32 to index
        %swap3A_437 = arith.index_cast %scan3A_286 : i32 to index
        %swap3A_438 = arith.constant 0 : index
        %swap3A_439 = tpu.vector_load %arg7[%swap3A_436, %swap3A_437, %swap3A_438] {strides = array<i32>} : memref<18x256x16xf32, #tpu.memory_space<vmem>>, vector<16xf32>,
        tpu.vector_store %arg7[%swap3A_436, %swap3A_437, %swap3A_438], %select_n3A_434 {strides = array<i32>} : memref<18x256x16xf32, #tpu.memory_space<vmem>>, vector<16xf32>,
        %add3A_440 = arith.constant 15 : i32
        %add3A_441 = vector.broadcast %add3A_440 : i32 to vector<16xi32>
        %add3A_442 = arith.addi %mul3A_292, %add3A_441 : vector<16xi32>
        %gather3A_443 = tpu.vector_load_idx %arg6[%add3A_442] : memref<936xf32, #tpu.memory_space<vmem>>[vector<16xi32>], vector<16xf32>,
        %select_n3A_444 = arith.select %lt3A_2, %gather3A_443, %get3A_288 : vector<16xi1>, vector<16xf32>
        %swap3A_445 = arith.constant 15 : i32
        %swap3A_446 = arith.index_cast %swap3A_445 : i32 to index
        %swap3A_447 = arith.index_cast %scan3A_286 : i32 to index
        %swap3A_448 = arith.constant 0 : index
        %swap3A_449 = tpu.vector_load %arg7[%swap3A_446, %swap3A_447, %swap3A_448] {strides = array<i32>} : memref<18x256x16xf32, #tpu.memory_space<vmem>>, vector<16xf32>,
        tpu.vector_store %arg7[%swap3A_446, %swap3A_447, %swap3A_448], %select_n3A_444 {strides = array<i32>} : memref<18x256x16xf32, #tpu.memory_space<vmem>>, vector<16xf32>,
        %add3A_450 = arith.constant 16 : i32
        %add3A_451 = vector.broadcast %add3A_450 : i32 to vector<16xi32>
        %add3A_452 = arith.addi %mul3A_292, %add3A_451 : vector<16xi32>
        %gather3A_453 = tpu.vector_load_idx %arg6[%add3A_452] : memref<936xf32, #tpu.memory_space<vmem>>[vector<16xi32>], vector<16xf32>,
        %select_n3A_454 = arith.select %lt3A_2, %gather3A_453, %get3A_288 : vector<16xi1>, vector<16xf32>
        %swap3A_455 = arith.constant 16 : i32
        %swap3A_456 = arith.index_cast %swap3A_455 : i32 to index
        %swap3A_457 = arith.index_cast %scan3A_286 : i32 to index
        %swap3A_458 = arith.constant 0 : index
        %swap3A_459 = tpu.vector_load %arg7[%swap3A_456, %swap3A_457, %swap3A_458] {strides = array<i32>} : memref<18x256x16xf32, #tpu.memory_space<vmem>>, vector<16xf32>,
        tpu.vector_store %arg7[%swap3A_456, %swap3A_457, %swap3A_458], %select_n3A_454 {strides = array<i32>} : memref<18x256x16xf32, #tpu.memory_space<vmem>>, vector<16xf32>,
        %add3A_460 = arith.constant 17 : i32
        %add3A_461 = vector.broadcast %add3A_460 : i32 to vector<16xi32>
        %add3A_462 = arith.addi %mul3A_292, %add3A_461 : vector<16xi32>
        %gather3A_463 = tpu.vector_load_idx %arg6[%add3A_462] : memref<936xf32, #tpu.memory_space<vmem>>[vector<16xi32>], vector<16xf32>,
        %select_n3A_464 = arith.select %lt3A_2, %gather3A_463, %get3A_288 : vector<16xi1>, vector<16xf32>
        %swap3A_465 = arith.constant 17 : i32
        %swap3A_466 = arith.index_cast %swap3A_465 : i32 to index
        %swap3A_467 = arith.index_cast %scan3A_286 : i32 to index
        %swap3A_468 = arith.constant 0 : index
        %swap3A_469 = tpu.vector_load %arg7[%swap3A_466, %swap3A_467, %swap3A_468] {strides = array<i32>} : memref<18x256x16xf32, #tpu.memory_space<vmem>>, vector<16xf32>,
        tpu.vector_store %arg7[%swap3A_466, %swap3A_467, %swap3A_468], %select_n3A_464 {strides = array<i32>} : memref<18x256x16xf32, #tpu.memory_space<vmem>>, vector<16xf32>,
      }
      %scan3A_153 = arith.constant 256 : i32
      %dma_wait3A_154 = arith.constant 0 : i32
      %dma_wait3A_155 = arith.constant 0 : i32
      %dma_wait3A_156 = tpu.memref_slice %arg4[%dma_wait3A_154, %add3A_20, %dma_wait3A_155] : memref<18x16384x128xf32, #tpu.memory_space<hbm>> -> memref<1x256x128xf32, #tpu.memory_space<hbm>>
      %dma_wait3A_157 = tpu.memref_squeeze %dma_wait3A_156 : memref<1x256x128xf32, #tpu.memory_space<hbm>> -> memref<256x128xf32, #tpu.memory_space<hbm>>
      %dma_wait3A_158 = arith.constant 0 : i32
      %dma_wait3A_159 = tpu.memref_slice %arg4[%dma_wait3A_154, %add3A_20, %dma_wait3A_158] : memref<18x16384x128xf32, #tpu.memory_space<hbm>> -> memref<1x256x128xf32, #tpu.memory_space<hbm>>
      %dma_wait3A_160 = tpu.memref_squeeze %dma_wait3A_159 : memref<1x256x128xf32, #tpu.memory_space<hbm>> -> memref<256x128xf32, #tpu.memory_space<hbm>>
      tpu.wait_dma2 semaphore(%arg8 : memref<!tpu.dma_semaphore, #tpu.memory_space<semaphore_mem>>) src(%arg5 : memref<256x128xf32, #tpu.memory_space<vmem>>) dst(%dma_wait3A_160 : memref<256x128xf32, #tpu.memory_space<hbm>>)
      %dma_wait3A_161 = arith.constant 1 : i32
      %dma_wait3A_162 = arith.constant 0 : i32
      %dma_wait3A_163 = tpu.memref_slice %arg4[%dma_wait3A_161, %add3A_20, %dma_wait3A_162] : memref<18x16384x128xf32, #tpu.memory_space<hbm>> -> memref<1x256x128xf32, #tpu.memory_space<hbm>>
      %dma_wait3A_164 = tpu.memref_squeeze %dma_wait3A_163 : memref<1x256x128xf32, #tpu.memory_space<hbm>> -> memref<256x128xf32, #tpu.memory_space<hbm>>
      %dma_wait3A_165 = arith.constant 0 : i32
      %dma_wait3A_166 = tpu.memref_slice %arg4[%dma_wait3A_161, %add3A_20, %dma_wait3A_165] : memref<18x16384x128xf32, #tpu.memory_space<hbm>> -> memref<1x256x128xf32, #tpu.memory_space<hbm>>
      %dma_wait3A_167 = tpu.memref_squeeze %dma_wait3A_166 : memref<1x256x128xf32, #tpu.memory_space<hbm>> -> memref<256x128xf32, #tpu.memory_space<hbm>>
      tpu.wait_dma2 semaphore(%arg8 : memref<!tpu.dma_semaphore, #tpu.memory_space<semaphore_mem>>) src(%arg5 : memref<256x128xf32, #tpu.memory_space<vmem>>) dst(%dma_wait3A_167 : memref<256x128xf32, #tpu.memory_space<hbm>>)
      %dma_wait3A_168 = arith.constant 2 : i32
      %dma_wait3A_169 = arith.constant 0 : i32
      %dma_wait3A_170 = tpu.memref_slice %arg4[%dma_wait3A_168, %add3A_20, %dma_wait3A_169] : memref<18x16384x128xf32, #tpu.memory_space<hbm>> -> memref<1x256x128xf32, #tpu.memory_space<hbm>>
      %dma_wait3A_171 = tpu.memref_squeeze %dma_wait3A_170 : memref<1x256x128xf32, #tpu.memory_space<hbm>> -> memref<256x128xf32, #tpu.memory_space<hbm>>
      %dma_wait3A_172 = arith.constant 0 : i32
      %dma_wait3A_173 = tpu.memref_slice %arg4[%dma_wait3A_168, %add3A_20, %dma_wait3A_172] : memref<18x16384x128xf32, #tpu.memory_space<hbm>> -> memref<1x256x128xf32, #tpu.memory_space<hbm>>
      %dma_wait3A_174 = tpu.memref_squeeze %dma_wait3A_173 : memref<1x256x128xf32, #tpu.memory_space<hbm>> -> memref<256x128xf32, #tpu.memory_space<hbm>>
      tpu.wait_dma2 semaphore(%arg8 : memref<!tpu.dma_semaphore, #tpu.memory_space<semaphore_mem>>) src(%arg5 : memref<256x128xf32, #tpu.memory_space<vmem>>) dst(%dma_wait3A_174 : memref<256x128xf32, #tpu.memory_space<hbm>>)
      %dma_wait3A_175 = arith.constant 3 : i32
      %dma_wait3A_176 = arith.constant 0 : i32
      %dma_wait3A_177 = tpu.memref_slice %arg4[%dma_wait3A_175, %add3A_20, %dma_wait3A_176] : memref<18x16384x128xf32, #tpu.memory_space<hbm>> -> memref<1x256x128xf32, #tpu.memory_space<hbm>>
      %dma_wait3A_178 = tpu.memref_squeeze %dma_wait3A_177 : memref<1x256x128xf32, #tpu.memory_space<hbm>> -> memref<256x128xf32, #tpu.memory_space<hbm>>
      %dma_wait3A_179 = arith.constant 0 : i32
      %dma_wait3A_180 = tpu.memref_slice %arg4[%dma_wait3A_175, %add3A_20, %dma_wait3A_179] : memref<18x16384x128xf32, #tpu.memory_space<hbm>> -> memref<1x256x128xf32, #tpu.memory_space<hbm>>
      %dma_wait3A_181 = tpu.memref_squeeze %dma_wait3A_180 : memref<1x256x128xf32, #tpu.memory_space<hbm>> -> memref<256x128xf32, #tpu.memory_space<hbm>>
      tpu.wait_dma2 semaphore(%arg8 : memref<!tpu.dma_semaphore, #tpu.memory_space<semaphore_mem>>) src(%arg5 : memref<256x128xf32, #tpu.memory_space<vmem>>) dst(%dma_wait3A_181 : memref<256x128xf32, #tpu.memory_space<hbm>>)
      %dma_wait3A_182 = arith.constant 4 : i32
      %dma_wait3A_183 = arith.constant 0 : i32
      %dma_wait3A_184 = tpu.memref_slice %arg4[%dma_wait3A_182, %add3A_20, %dma_wait3A_183] : memref<18x16384x128xf32, #tpu.memory_space<hbm>> -> memref<1x256x128xf32, #tpu.memory_space<hbm>>
      %dma_wait3A_185 = tpu.memref_squeeze %dma_wait3A_184 : memref<1x256x128xf32, #tpu.memory_space<hbm>> -> memref<256x128xf32, #tpu.memory_space<hbm>>
      %dma_wait3A_186 = arith.constant 0 : i32
      %dma_wait3A_187 = tpu.memref_slice %arg4[%dma_wait3A_182, %add3A_20, %dma_wait3A_186] : memref<18x16384x128xf32, #tpu.memory_space<hbm>> -> memref<1x256x128xf32, #tpu.memory_space<hbm>>
      %dma_wait3A_188 = tpu.memref_squeeze %dma_wait3A_187 : memref<1x256x128xf32, #tpu.memory_space<hbm>> -> memref<256x128xf32, #tpu.memory_space<hbm>>
      tpu.wait_dma2 semaphore(%arg8 : memref<!tpu.dma_semaphore, #tpu.memory_space<semaphore_mem>>) src(%arg5 : memref<256x128xf32, #tpu.memory_space<vmem>>) dst(%dma_wait3A_188 : memref<256x128xf32, #tpu.memory_space<hbm>>)
      %dma_wait3A_189 = arith.constant 5 : i32
      %dma_wait3A_190 = arith.constant 0 : i32
      %dma_wait3A_191 = tpu.memref_slice %arg4[%dma_wait3A_189, %add3A_20, %dma_wait3A_190] : memref<18x16384x128xf32, #tpu.memory_space<hbm>> -> memref<1x256x128xf32, #tpu.memory_space<hbm>>
      %dma_wait3A_192 = tpu.memref_squeeze %dma_wait3A_191 : memref<1x256x128xf32, #tpu.memory_space<hbm>> -> memref<256x128xf32, #tpu.memory_space<hbm>>
      %dma_wait3A_193 = arith.constant 0 : i32
      %dma_wait3A_194 = tpu.memref_slice %arg4[%dma_wait3A_189, %add3A_20, %dma_wait3A_193] : memref<18x16384x128xf32, #tpu.memory_space<hbm>> -> memref<1x256x128xf32, #tpu.memory_space<hbm>>
      %dma_wait3A_195 = tpu.memref_squeeze %dma_wait3A_194 : memref<1x256x128xf32, #tpu.memory_space<hbm>> -> memref<256x128xf32, #tpu.memory_space<hbm>>
      tpu.wait_dma2 semaphore(%arg8 : memref<!tpu.dma_semaphore, #tpu.memory_space<semaphore_mem>>) src(%arg5 : memref<256x128xf32, #tpu.memory_space<vmem>>) dst(%dma_wait3A_195 : memref<256x128xf32, #tpu.memory_space<hbm>>)
      %dma_wait3A_196 = arith.constant 6 : i32
      %dma_wait3A_197 = arith.constant 0 : i32
      %dma_wait3A_198 = tpu.memref_slice %arg4[%dma_wait3A_196, %add3A_20, %dma_wait3A_197] : memref<18x16384x128xf32, #tpu.memory_space<hbm>> -> memref<1x256x128xf32, #tpu.memory_space<hbm>>
      %dma_wait3A_199 = tpu.memref_squeeze %dma_wait3A_198 : memref<1x256x128xf32, #tpu.memory_space<hbm>> -> memref<256x128xf32, #tpu.memory_space<hbm>>
      %dma_wait3A_200 = arith.constant 0 : i32
      %dma_wait3A_201 = tpu.memref_slice %arg4[%dma_wait3A_196, %add3A_20, %dma_wait3A_200] : memref<18x16384x128xf32, #tpu.memory_space<hbm>> -> memref<1x256x128xf32, #tpu.memory_space<hbm>>
      %dma_wait3A_202 = tpu.memref_squeeze %dma_wait3A_201 : memref<1x256x128xf32, #tpu.memory_space<hbm>> -> memref<256x128xf32, #tpu.memory_space<hbm>>
      tpu.wait_dma2 semaphore(%arg8 : memref<!tpu.dma_semaphore, #tpu.memory_space<semaphore_mem>>) src(%arg5 : memref<256x128xf32, #tpu.memory_space<vmem>>) dst(%dma_wait3A_202 : memref<256x128xf32, #tpu.memory_space<hbm>>)
      %dma_wait3A_203 = arith.constant 7 : i32
      %dma_wait3A_204 = arith.constant 0 : i32
      %dma_wait3A_205 = tpu.memref_slice %arg4[%dma_wait3A_203, %add3A_20, %dma_wait3A_204] : memref<18x16384x128xf32, #tpu.memory_space<hbm>> -> memref<1x256x128xf32, #tpu.memory_space<hbm>>
      %dma_wait3A_206 = tpu.memref_squeeze %dma_wait3A_205 : memref<1x256x128xf32, #tpu.memory_space<hbm>> -> memref<256x128xf32, #tpu.memory_space<hbm>>
      %dma_wait3A_207 = arith.constant 0 : i32
      %dma_wait3A_208 = tpu.memref_slice %arg4[%dma_wait3A_203, %add3A_20, %dma_wait3A_207] : memref<18x16384x128xf32, #tpu.memory_space<hbm>> -> memref<1x256x128xf32, #tpu.memory_space<hbm>>
      %dma_wait3A_209 = tpu.memref_squeeze %dma_wait3A_208 : memref<1x256x128xf32, #tpu.memory_space<hbm>> -> memref<256x128xf32, #tpu.memory_space<hbm>>
      tpu.wait_dma2 semaphore(%arg8 : memref<!tpu.dma_semaphore, #tpu.memory_space<semaphore_mem>>) src(%arg5 : memref<256x128xf32, #tpu.memory_space<vmem>>) dst(%dma_wait3A_209 : memref<256x128xf32, #tpu.memory_space<hbm>>)
      %dma_wait3A_210 = arith.constant 8 : i32
      %dma_wait3A_211 = arith.constant 0 : i32
      %dma_wait3A_212 = tpu.memref_slice %arg4[%dma_wait3A_210, %add3A_20, %dma_wait3A_211] : memref<18x16384x128xf32, #tpu.memory_space<hbm>> -> memref<1x256x128xf32, #tpu.memory_space<hbm>>
      %dma_wait3A_213 = tpu.memref_squeeze %dma_wait3A_212 : memref<1x256x128xf32, #tpu.memory_space<hbm>> -> memref<256x128xf32, #tpu.memory_space<hbm>>
      %dma_wait3A_214 = arith.constant 0 : i32
      %dma_wait3A_215 = tpu.memref_slice %arg4[%dma_wait3A_210, %add3A_20, %dma_wait3A_214] : memref<18x16384x128xf32, #tpu.memory_space<hbm>> -> memref<1x256x128xf32, #tpu.memory_space<hbm>>
      %dma_wait3A_216 = tpu.memref_squeeze %dma_wait3A_215 : memref<1x256x128xf32, #tpu.memory_space<hbm>> -> memref<256x128xf32, #tpu.memory_space<hbm>>
      tpu.wait_dma2 semaphore(%arg8 : memref<!tpu.dma_semaphore, #tpu.memory_space<semaphore_mem>>) src(%arg5 : memref<256x128xf32, #tpu.memory_space<vmem>>) dst(%dma_wait3A_216 : memref<256x128xf32, #tpu.memory_space<hbm>>)
      %dma_wait3A_217 = arith.constant 9 : i32
      %dma_wait3A_218 = arith.constant 0 : i32
      %dma_wait3A_219 = tpu.memref_slice %arg4[%dma_wait3A_217, %add3A_20, %dma_wait3A_218] : memref<18x16384x128xf32, #tpu.memory_space<hbm>> -> memref<1x256x128xf32, #tpu.memory_space<hbm>>
      %dma_wait3A_220 = tpu.memref_squeeze %dma_wait3A_219 : memref<1x256x128xf32, #tpu.memory_space<hbm>> -> memref<256x128xf32, #tpu.memory_space<hbm>>
      %dma_wait3A_221 = arith.constant 0 : i32
      %dma_wait3A_222 = tpu.memref_slice %arg4[%dma_wait3A_217, %add3A_20, %dma_wait3A_221] : memref<18x16384x128xf32, #tpu.memory_space<hbm>> -> memref<1x256x128xf32, #tpu.memory_space<hbm>>
      %dma_wait3A_223 = tpu.memref_squeeze %dma_wait3A_222 : memref<1x256x128xf32, #tpu.memory_space<hbm>> -> memref<256x128xf32, #tpu.memory_space<hbm>>
      tpu.wait_dma2 semaphore(%arg8 : memref<!tpu.dma_semaphore, #tpu.memory_space<semaphore_mem>>) src(%arg5 : memref<256x128xf32, #tpu.memory_space<vmem>>) dst(%dma_wait3A_223 : memref<256x128xf32, #tpu.memory_space<hbm>>)
      %dma_wait3A_224 = arith.constant 10 : i32
      %dma_wait3A_225 = arith.constant 0 : i32
      %dma_wait3A_226 = tpu.memref_slice %arg4[%dma_wait3A_224, %add3A_20, %dma_wait3A_225] : memref<18x16384x128xf32, #tpu.memory_space<hbm>> -> memref<1x256x128xf32, #tpu.memory_space<hbm>>
      %dma_wait3A_227 = tpu.memref_squeeze %dma_wait3A_226 : memref<1x256x128xf32, #tpu.memory_space<hbm>> -> memref<256x128xf32, #tpu.memory_space<hbm>>
      %dma_wait3A_228 = arith.constant 0 : i32
      %dma_wait3A_229 = tpu.memref_slice %arg4[%dma_wait3A_224, %add3A_20, %dma_wait3A_228] : memref<18x16384x128xf32, #tpu.memory_space<hbm>> -> memref<1x256x128xf32, #tpu.memory_space<hbm>>
      %dma_wait3A_230 = tpu.memref_squeeze %dma_wait3A_229 : memref<1x256x128xf32, #tpu.memory_space<hbm>> -> memref<256x128xf32, #tpu.memory_space<hbm>>
      tpu.wait_dma2 semaphore(%arg8 : memref<!tpu.dma_semaphore, #tpu.memory_space<semaphore_mem>>) src(%arg5 : memref<256x128xf32, #tpu.memory_space<vmem>>) dst(%dma_wait3A_230 : memref<256x128xf32, #tpu.memory_space<hbm>>)
      %dma_wait3A_231 = arith.constant 11 : i32
      %dma_wait3A_232 = arith.constant 0 : i32
      %dma_wait3A_233 = tpu.memref_slice %arg4[%dma_wait3A_231, %add3A_20, %dma_wait3A_232] : memref<18x16384x128xf32, #tpu.memory_space<hbm>> -> memref<1x256x128xf32, #tpu.memory_space<hbm>>
      %dma_wait3A_234 = tpu.memref_squeeze %dma_wait3A_233 : memref<1x256x128xf32, #tpu.memory_space<hbm>> -> memref<256x128xf32, #tpu.memory_space<hbm>>
      %dma_wait3A_235 = arith.constant 0 : i32
      %dma_wait3A_236 = tpu.memref_slice %arg4[%dma_wait3A_231, %add3A_20, %dma_wait3A_235] : memref<18x16384x128xf32, #tpu.memory_space<hbm>> -> memref<1x256x128xf32, #tpu.memory_space<hbm>>
      %dma_wait3A_237 = tpu.memref_squeeze %dma_wait3A_236 : memref<1x256x128xf32, #tpu.memory_space<hbm>> -> memref<256x128xf32, #tpu.memory_space<hbm>>
      tpu.wait_dma2 semaphore(%arg8 : memref<!tpu.dma_semaphore, #tpu.memory_space<semaphore_mem>>) src(%arg5 : memref<256x128xf32, #tpu.memory_space<vmem>>) dst(%dma_wait3A_237 : memref<256x128xf32, #tpu.memory_space<hbm>>)
      %dma_wait3A_238 = arith.constant 12 : i32
      %dma_wait3A_239 = arith.constant 0 : i32
      %dma_wait3A_240 = tpu.memref_slice %arg4[%dma_wait3A_238, %add3A_20, %dma_wait3A_239] : memref<18x16384x128xf32, #tpu.memory_space<hbm>> -> memref<1x256x128xf32, #tpu.memory_space<hbm>>
      %dma_wait3A_241 = tpu.memref_squeeze %dma_wait3A_240 : memref<1x256x128xf32, #tpu.memory_space<hbm>> -> memref<256x128xf32, #tpu.memory_space<hbm>>
      %dma_wait3A_242 = arith.constant 0 : i32
      %dma_wait3A_243 = tpu.memref_slice %arg4[%dma_wait3A_238, %add3A_20, %dma_wait3A_242] : memref<18x16384x128xf32, #tpu.memory_space<hbm>> -> memref<1x256x128xf32, #tpu.memory_space<hbm>>
      %dma_wait3A_244 = tpu.memref_squeeze %dma_wait3A_243 : memref<1x256x128xf32, #tpu.memory_space<hbm>> -> memref<256x128xf32, #tpu.memory_space<hbm>>
      tpu.wait_dma2 semaphore(%arg8 : memref<!tpu.dma_semaphore, #tpu.memory_space<semaphore_mem>>) src(%arg5 : memref<256x128xf32, #tpu.memory_space<vmem>>) dst(%dma_wait3A_244 : memref<256x128xf32, #tpu.memory_space<hbm>>)
      %dma_wait3A_245 = arith.constant 13 : i32
      %dma_wait3A_246 = arith.constant 0 : i32
      %dma_wait3A_247 = tpu.memref_slice %arg4[%dma_wait3A_245, %add3A_20, %dma_wait3A_246] : memref<18x16384x128xf32, #tpu.memory_space<hbm>> -> memref<1x256x128xf32, #tpu.memory_space<hbm>>
      %dma_wait3A_248 = tpu.memref_squeeze %dma_wait3A_247 : memref<1x256x128xf32, #tpu.memory_space<hbm>> -> memref<256x128xf32, #tpu.memory_space<hbm>>
      %dma_wait3A_249 = arith.constant 0 : i32
      %dma_wait3A_250 = tpu.memref_slice %arg4[%dma_wait3A_245, %add3A_20, %dma_wait3A_249] : memref<18x16384x128xf32, #tpu.memory_space<hbm>> -> memref<1x256x128xf32, #tpu.memory_space<hbm>>
      %dma_wait3A_251 = tpu.memref_squeeze %dma_wait3A_250 : memref<1x256x128xf32, #tpu.memory_space<hbm>> -> memref<256x128xf32, #tpu.memory_space<hbm>>
      tpu.wait_dma2 semaphore(%arg8 : memref<!tpu.dma_semaphore, #tpu.memory_space<semaphore_mem>>) src(%arg5 : memref<256x128xf32, #tpu.memory_space<vmem>>) dst(%dma_wait3A_251 : memref<256x128xf32, #tpu.memory_space<hbm>>)
      %dma_wait3A_252 = arith.constant 14 : i32
      %dma_wait3A_253 = arith.constant 0 : i32
      %dma_wait3A_254 = tpu.memref_slice %arg4[%dma_wait3A_252, %add3A_20, %dma_wait3A_253] : memref<18x16384x128xf32, #tpu.memory_space<hbm>> -> memref<1x256x128xf32, #tpu.memory_space<hbm>>
      %dma_wait3A_255 = tpu.memref_squeeze %dma_wait3A_254 : memref<1x256x128xf32, #tpu.memory_space<hbm>> -> memref<256x128xf32, #tpu.memory_space<hbm>>
      %dma_wait3A_256 = arith.constant 0 : i32
      %dma_wait3A_257 = tpu.memref_slice %arg4[%dma_wait3A_252, %add3A_20, %dma_wait3A_256] : memref<18x16384x128xf32, #tpu.memory_space<hbm>> -> memref<1x256x128xf32, #tpu.memory_space<hbm>>
      %dma_wait3A_258 = tpu.memref_squeeze %dma_wait3A_257 : memref<1x256x128xf32, #tpu.memory_space<hbm>> -> memref<256x128xf32, #tpu.memory_space<hbm>>
      tpu.wait_dma2 semaphore(%arg8 : memref<!tpu.dma_semaphore, #tpu.memory_space<semaphore_mem>>) src(%arg5 : memref<256x128xf32, #tpu.memory_space<vmem>>) dst(%dma_wait3A_258 : memref<256x128xf32, #tpu.memory_space<hbm>>)
      %dma_wait3A_259 = arith.constant 15 : i32
      %dma_wait3A_260 = arith.constant 0 : i32
      %dma_wait3A_261 = tpu.memref_slice %arg4[%dma_wait3A_259, %add3A_20, %dma_wait3A_260] : memref<18x16384x128xf32, #tpu.memory_space<hbm>> -> memref<1x256x128xf32, #tpu.memory_space<hbm>>
      %dma_wait3A_262 = tpu.memref_squeeze %dma_wait3A_261 : memref<1x256x128xf32, #tpu.memory_space<hbm>> -> memref<256x128xf32, #tpu.memory_space<hbm>>
      %dma_wait3A_263 = arith.constant 0 : i32
      %dma_wait3A_264 = tpu.memref_slice %arg4[%dma_wait3A_259, %add3A_20, %dma_wait3A_263] : memref<18x16384x128xf32, #tpu.memory_space<hbm>> -> memref<1x256x128xf32, #tpu.memory_space<hbm>>
      %dma_wait3A_265 = tpu.memref_squeeze %dma_wait3A_264 : memref<1x256x128xf32, #tpu.memory_space<hbm>> -> memref<256x128xf32, #tpu.memory_space<hbm>>
      tpu.wait_dma2 semaphore(%arg8 : memref<!tpu.dma_semaphore, #tpu.memory_space<semaphore_mem>>) src(%arg5 : memref<256x128xf32, #tpu.memory_space<vmem>>) dst(%dma_wait3A_265 : memref<256x128xf32, #tpu.memory_space<hbm>>)
      %dma_wait3A_266 = arith.constant 16 : i32
      %dma_wait3A_267 = arith.constant 0 : i32
      %dma_wait3A_268 = tpu.memref_slice %arg4[%dma_wait3A_266, %add3A_20, %dma_wait3A_267] : memref<18x16384x128xf32, #tpu.memory_space<hbm>> -> memref<1x256x128xf32, #tpu.memory_space<hbm>>
      %dma_wait3A_269 = tpu.memref_squeeze %dma_wait3A_268 : memref<1x256x128xf32, #tpu.memory_space<hbm>> -> memref<256x128xf32, #tpu.memory_space<hbm>>
      %dma_wait3A_270 = arith.constant 0 : i32
      %dma_wait3A_271 = tpu.memref_slice %arg4[%dma_wait3A_266, %add3A_20, %dma_wait3A_270] : memref<18x16384x128xf32, #tpu.memory_space<hbm>> -> memref<1x256x128xf32, #tpu.memory_space<hbm>>
      %dma_wait3A_272 = tpu.memref_squeeze %dma_wait3A_271 : memref<1x256x128xf32, #tpu.memory_space<hbm>> -> memref<256x128xf32, #tpu.memory_space<hbm>>
      tpu.wait_dma2 semaphore(%arg8 : memref<!tpu.dma_semaphore, #tpu.memory_space<semaphore_mem>>) src(%arg5 : memref<256x128xf32, #tpu.memory_space<vmem>>) dst(%dma_wait3A_272 : memref<256x128xf32, #tpu.memory_space<hbm>>)
      %dma_wait3A_273 = arith.constant 17 : i32
      %dma_wait3A_274 = arith.constant 0 : i32
      %dma_wait3A_275 = tpu.memref_slice %arg4[%dma_wait3A_273, %add3A_20, %dma_wait3A_274] : memref<18x16384x128xf32, #tpu.memory_space<hbm>> -> memref<1x256x128xf32, #tpu.memory_space<hbm>>
      %dma_wait3A_276 = tpu.memref_squeeze %dma_wait3A_275 : memref<1x256x128xf32, #tpu.memory_space<hbm>> -> memref<256x128xf32, #tpu.memory_space<hbm>>
      %dma_wait3A_277 = arith.constant 0 : i32
      %dma_wait3A_278 = tpu.memref_slice %arg4[%dma_wait3A_273, %add3A_20, %dma_wait3A_277] : memref<18x16384x128xf32, #tpu.memory_space<hbm>> -> memref<1x256x128xf32, #tpu.memory_space<hbm>>
      %dma_wait3A_279 = tpu.memref_squeeze %dma_wait3A_278 : memref<1x256x128xf32, #tpu.memory_space<hbm>> -> memref<256x128xf32, #tpu.memory_space<hbm>>
      tpu.wait_dma2 semaphore(%arg8 : memref<!tpu.dma_semaphore, #tpu.memory_space<semaphore_mem>>) src(%arg5 : memref<256x128xf32, #tpu.memory_space<vmem>>) dst(%dma_wait3A_279 : memref<256x128xf32, #tpu.memory_space<hbm>>)
      %dma_start3A_280 = arith.constant 0 : i32
      %dma_start3A_281 = arith.constant 64 : i32
      %dma_start3A_282 = tpu.memref_slice %arg4[%dma_start3A_280, %add3A_20, %dma_start3A_281] : memref<18x16384x128xf32, #tpu.memory_space<hbm>> -> memref<18x256x16xf32, #tpu.memory_space<hbm>>
      %dma_start3A_283 = arith.constant 0 : i32
      %dma_start3A_284 = arith.constant 64 : i32
      %dma_start3A_285 = tpu.memref_slice %arg4[%dma_start3A_283, %add3A_20, %dma_start3A_284] : memref<18x16384x128xf32, #tpu.memory_space<hbm>> -> memref<18x256x16xf32, #tpu.memory_space<hbm>>
      tpu.enqueue_dma source(%arg7 : memref<18x256x16xf32, #tpu.memory_space<vmem>>) target(%dma_start3A_285 : memref<18x256x16xf32, #tpu.memory_space<hbm>>) target_semaphore(%arg9 : memref<!tpu.dma_semaphore, #tpu.memory_space<semaphore_mem>>)
    }
    %scan3A_9 = arith.constant 2 : i32
    %add3A_10 = arith.constant 256 : i32
    %add3A_11 = arith.addi %mul3A_4, %add3A_10 : i32
    %dma_wait3A = arith.constant 0 : i32
    %dma_wait3A_12 = arith.constant 64 : i32
    %dma_wait3A_13 = tpu.memref_slice %arg4[%dma_wait3A, %add3A_11, %dma_wait3A_12] : memref<18x16384x128xf32, #tpu.memory_space<hbm>> -> memref<18x256x16xf32, #tpu.memory_space<hbm>>
    %dma_wait3A_14 = arith.constant 0 : i32
    %dma_wait3A_15 = arith.constant 64 : i32
    %dma_wait3A_16 = tpu.memref_slice %arg4[%dma_wait3A_14, %add3A_11, %dma_wait3A_15] : memref<18x16384x128xf32, #tpu.memory_space<hbm>> -> memref<18x256x16xf32, #tpu.memory_space<hbm>>
    tpu.wait_dma2 semaphore(%arg9 : memref<!tpu.dma_semaphore, #tpu.memory_space<semaphore_mem>>) src(%arg7 : memref<18x256x16xf32, #tpu.memory_space<vmem>>) dst(%dma_wait3A_16 : memref<18x256x16xf32, #tpu.memory_space<hbm>>)
    return
  }
}

</mosaic_0001>

<sc_bundles>
// kernel: _run.3.cloned.1.call-start
scs
__scs_entry_jumppad:
0x0: {  	(pc) =	sbr.rel $0x88, $3  }
0x1: {  	(tag) =	ssettag $0x0;
	lr =	simm.s32 $0x1  }
0x2: {  	[smem:$0x3F9F] =	sst lr;
	_ =	strace $0xD0000000  }
0x3: {  	_ = 	snop  }
0x4: {  	_ = 	snop  }
0x5: {  	_ = 	snop  }
0x6: {  	_ = 	snop  }
0x7: {  	_ = 	snop  }
__scs_overlays_trampoline_lowered:
0x8: {  	[smem:$0x3FAE] =	sst s0  }
0x9: {  	[smem:$0x3FAF] =	sst s1  }
0xa: {  	[smem:$0x3FB0] =	sst s2  }
0xb: {  	[smem:$0x3FB1] =	sst s3  }
0xc: {  	[smem:$0x3FB2] =	sst s4  }
0xd: {  	[smem:$0x3FB3] =	sst s5  }
0xe: {  	[smem:$0x3FB4] =	sst s6  }
0xf: {  	[smem:$0x3FB5] =	sst s7  }
0x10: {  	[smem:$0x3FB6] =	sst s8  }
0x11: {  	[smem:$0x3FB7] =	sst s9;
	s0 =	simm.s32 @!p0 $0x0  }
0x12: {  	s1 =	sld [smem:$0x3F9D];
	s0 =	simm.s32 @p0 $0x1  }
0x13: {  	[smem:$0x3FB8] =	sst s0;
	s0 =	simm.s32 @!p1 $0x0  }
0x14: {  	s2 =	sld [smem:$0x3F9C];
	s0 =	simm.s32 @p1 $0x1  }
0x15: {  	[smem:$0x3FB9] =	sst s0;
	s0 =	simm.s32 @!p2 $0x0  }
0x16: {  	s3 =	sld [smem:$0x3FDB];
	s0 =	simm.s32 @p2 $0x1  }
0x17: {  	s4 =	simm.s32 $0x1BF5;
	[smem:$0x3FBB] =	sst s0  }
0x18: {  	s0 =	sld [smem:$0x3F9E];
	_ =	swait.ge [sflag:s4], $0x0  }
0x19: {  	s7 =	sld [smem:$0x3F9F]  }
0x1a: {  	s8 =	sadd.s32 $0xFFFFE003, lr  }
0x1b: {  	s9 =	sadd.s32 $0xFFFFFEF7, lr;
	s5 =	simm.s32 $0xFFFFFFFF;
	p2 =	slt.u32 s8, $0xFFFFF086  }
0x1c: {  	p1 =	slt.u32 s9, $0xF7A;
	s5 =	simm.s32 @!p2 $0x0  }
0x1d: {  	s5 =	simm.s32 @p1 $0x1;
	p0 =	seq.s32 s7, s2  }
0x1e: {  	s7 =	smul.u32 @!p0 $0xF7A, s2;
	p2 =	seq.s32 @!p0 s5, $0x0  }
0x1f: {  	s9 =	smul.u32 $0xF7A, s1;
	s8 =	simm.s32 @!p0 $0x1BF5;
	p2 =	por !p2, p0  }
0x20: {  	[sflag:s8] =	ssyncset.s32 @!p0 $0xFFFFF086;
	s6 =	sadd.s32 @!p0 s3, s7;
	s7 =	simm.s32 @!p0 $0x108  }
0x21: {  	s3 =	sadd.s32 s3, s9;
	s6 =	sadd.s32 @!p0 $0x88, s6;
	s7 =	simm.s32 @p2 $0x1082  }
0x22: {  	[simem:s7], [sflag:s8] =	dma.local @!p0 [hbm:s6], $0xF7A  }
0x23: {  	s9 =	sor.u32 $0xD0000000, s2;
	s6 =	simm.s32 $0x108;
	_ =	swait.ge @!p0 [sflag:s8], $0x0  }
0x24: {  	s3 =	sadd.s32 $0x88, s3;
	s6 =	simm.s32 @!p1 $0x1082;
	[sflag:s4] =	ssyncset.s32 $0xFFFFF086  }
0x25: {  	[simem:s6], [sflag:s4] =	dma.local [hbm:s3], $0xF7A  }
0x26: {  	[smem:$0x3F9F] =	sst s1;
	(tag) =	ssettag s2;
	_ =	strace s9  }
0x27: {  	s1 =	sld [smem:$0x3FAF]  }
0x28: {  	s2 =	sld [smem:$0x3FB0]  }
0x29: {  	s4 =	sld [smem:$0x3FB2]  }
0x2a: {  	p0 =	seq.s32 s5, $0x0;
	s5 =	sld [smem:$0x3FB3]  }
0x2b: {  	s6 =	sld [smem:$0x3FB4]  }
0x2c: {  	s7 =	sld [smem:$0x3FB5]  }
0x2d: {  	s3 =	simm.s32 $0x108;
	s8 =	sld [smem:$0x3FB6]  }
0x2e: {  	s3 =	simm.s32 @!p0 $0x1082;
	s9 =	sld [smem:$0x3FB7]  }
0x2f: {  	lr =	sadd.s32 s0, s3;
	s0 =	sld [smem:$0x3FAE]  }
0x30: {  	s3 =	sld [smem:$0x3FB1]  }
0x31: {  	[smem:$0x3FBA] =	sst s10  }
0x32: {  	s10 =	sld [smem:$0x3FB8];
	_ =	sdelay $0x3  }
0x33: {  	p0 =	seq.s32 s10, $0x1;
	s10 =	sld [smem:$0x3FBA];
	_ =	sdelay $0x3  }
0x34: {  	[smem:$0x3FBA] =	sst s10  }
0x35: {  	s10 =	sld [smem:$0x3FB9];
	_ =	sdelay $0x3  }
0x36: {  	p1 =	seq.s32 s10, $0x1;
	s10 =	sld [smem:$0x3FBA];
	_ =	sdelay $0x3  }
0x37: {  	[smem:$0x3FBA] =	sst s10  }
0x38: {  	s10 =	sld [smem:$0x3FBB]  }
0x39: {  	_ = 	snop;
	(pc) =	sbr.ind lr, $3  }
0x3a: {  	_ = 	snop  }
0x3b: {  	_ = 	snop  }
0x3c: {  	p2 =	seq.s32 s10, $0x1;
	s10 =	sld [smem:$0x3FBA]  }
0x3d: {  	_ =	shalt  }
0x3e: {  	_ =	shalt  }
0x3f: {  	_ =	shalt  }
0x40: {  	_ =	shalt  }
0x41: {  	_ =	shalt  }
0x42: {  	_ =	shalt  }
0x43: {  	_ =	shalt  }
0x44: {  	_ =	shalt  }
0x45: {  	_ =	shalt  }
0x46: {  	_ =	shalt  }
0x47: {  	_ =	shalt  }
0x48: {  	_ =	shalt  }
0x49: {  	_ =	shalt  }
0x4a: {  	_ =	shalt  }
0x4b: {  	_ =	shalt  }
0x4c: {  	_ =	shalt  }
0x4d: {  	_ =	shalt  }
0x4e: {  	_ =	shalt  }
0x4f: {  	_ =	shalt  }
0x50: {  	_ =	shalt  }
0x51: {  	_ =	shalt  }
0x52: {  	_ =	shalt  }
0x53: {  	_ =	shalt  }
0x54: {  	_ =	shalt  }
0x55: {  	_ =	shalt  }
0x56: {  	_ =	shalt  }
0x57: {  	_ =	shalt  }
0x58: {  	_ =	shalt  }
0x59: {  	_ =	shalt  }
0x5a: {  	_ =	shalt  }
0x5b: {  	_ =	shalt  }
0x5c: {  	_ =	shalt  }
0x5d: {  	_ =	shalt  }
0x5e: {  	_ =	shalt  }
0x5f: {  	_ =	shalt  }
0x60: {  	_ =	shalt  }
0x61: {  	_ =	shalt  }
0x62: {  	_ =	shalt  }
0x63: {  	_ =	shalt  }
0x64: {  	_ =	shalt  }
0x65: {  	_ =	shalt  }
0x66: {  	_ =	shalt  }
0x67: {  	_ =	shalt  }
0x68: {  	_ =	shalt  }
0x69: {  	_ =	shalt  }
0x6a: {  	_ =	shalt  }
0x6b: {  	_ =	shalt  }
0x6c: {  	_ =	shalt  }
0x6d: {  	_ =	shalt  }
0x6e: {  	_ =	shalt  }
0x6f: {  	_ =	shalt  }
0x70: {  	_ =	shalt  }
0x71: {  	_ =	shalt  }
0x72: {  	_ =	shalt  }
0x73: {  	_ =	shalt  }
0x74: {  	_ =	shalt  }
0x75: {  	_ =	shalt  }
0x76: {  	_ =	shalt  }
0x77: {  	_ =	shalt  }
0x78: {  	_ =	shalt  }
0x79: {  	_ =	shalt  }
0x7a: {  	_ =	shalt  }
0x7b: {  	_ =	shalt  }
0x7c: {  	_ =	shalt  }
0x7d: {  	_ =	shalt  }
0x7e: {  	_ =	shalt  }
0x7f: {  	_ =	shalt  }
0x80: {  	_ =	shalt  }
0x81: {  	_ =	shalt  }
0x82: {  	_ =	shalt  }
0x83: {  	_ =	shalt  }
0x84: {  	_ =	shalt  }
0x85: {  	_ =	shalt  }
0x86: {  	_ =	shalt  }
0x87: {  	_ =	shalt  }
.Lfunc_end0:
.L_simem_size_0:
called_computation_lowered:
.L_overlay_start_0:
0x88: {  	s2 =	sld [smem:$0x3FD9]  }
0x89: {  	s3 =	sld [smem:$0x3FFE];
	_ =	sdelay $0x1  }
0x8a: {  	s1 =	srdreg.scid  }
0x8b: {  	s0 =	sand.u32 $0x1, s1  }
0x8c: {  	s18 =	sshll.u32 s0, $0xA;
	s2 =	sadd.s32 s3, s2  }
0x8d: {  	s2 =	sadd.s32 s2, s18  }
0x8e: {  	[smem:$0x3FC6] =	sst s2  }
0x8f: {  	_ = 	snop  }
0x90: {  	s2 =	sld [smem:$0x3FC9]  }
0x91: {  	s19 =	sld [smem:$0x3FC8]  }
0x92: {  	s4 =	sld [smem:$0x3FD0];
	(tm) =	ssettm $0x1  }
0x93: {  	s5 =	sld [smem:$0x3FFB];
	_ =	sdelay $0x3  }
0x94: {  	_ =	strace s5  }
0x95: {  	s5 =	sld [smem:$0x3FFC];
	_ =	sdelay $0x3  }
0x96: {  	_ =	strace s5  }
0x97: {  	s5 =	sld [smem:$0x3FFD];
	_ =	sdelay $0x3  }
0x98: {  	_ =	strace s5  }
0x99: {  	_ =	strace $0x8FFFFFFF  }
0x9a: {  	s20 =	sld [smem:$0x3FDB];
	_ =	sdelay $0x1  }
0x9b: {  	s6 =	simm.s32 $_scs_section_size  }
0x9c: {  	s7 =	simm.s32 $_size__tile_overlayer_lowered;
	s8 =	simm.s32 $_tile_overlayer_lowered  }
0x9d: {  	s23 =	simm.s32 $0x1BFF;
	s22 =	sshll.u32 s8, $0x1;
	s5 =	sadd.s32 s6, s20  }
0x9e: {  	s9 =	simm.s32 $0x0;
	s21 =	sshll.u32 s7, $0x1;
	s7 =	sadd.s32 s22, s5  }
0x9f: {  	[timem:s9], [sflag:s23] =	dma.local [hbm:s7], s21  }
0xa0: {  	_ =	swait.ge [sflag:s23], s21  }
0xa1: {  	s6 =	ssub.s32 $0x0, s21;
	[sflag:s23] =	ssyncset.done $0x0  }
0xa2: {  	[sflag:s23] =	ssyncadd.s32 s6;
	_ =	sdelay $0x1  }
0xa3: {  	s24 =	simm.s32 $0x1B8B  }
0xa4: {  	_ =	swait.ge [sflag:s24], $0x1  }
0xa5: {  	[sflag:s24] =	ssyncset.done $0x0  }
0xa6: {  	s25 =	simm.s32 $0x1B8E;
	[sflag:s24] =	ssyncadd.s32 $0xFFFFFFFF  }
0xa7: {  	s26 =	simm.s32 $execute0_lowered;
	[smem:$0x3FD2] =	sst s25  }
0xa8: {  	s6 =	sshll.u32 s26, $0x1;
	_ =	strace $0x80000046;
	[dreg:$0x1] =	wrdreg $0xFFFFFFFF  }
0xa9: {  	s28 =	simm.s32 $_size_execute0_lowered;
	s5 =	sadd.s32 s5, s6;
	[dreg:$0x0] =	wrdreg $0x0  }
0xaa: {  	s6 =	sshll.u32 s28, $0x1;
	[dreg:$0x2] =	wrdreg s5  }
0xab: {  	[dreg:$0x3] =	wrdreg s6  }
0xac: {  	[dreg:$0x4] =	wrdreg $0xC0  }
0xad: {  	_ =	task [dreg:s9], $0x5FFFF  }
0xae: {  	[dreg:$0x1] =	wrdreg $0xFFFFFFFF  }
0xaf: {  	[dreg:$0x0] =	wrdreg $0x60  }
0xb0: {  	[dreg:$0x2] =	wrdreg s2  }
0xb1: {  	[dreg:$0x3] =	wrdreg s19  }
0xb2: {  	[dreg:$0x4] =	wrdreg s4  }
0xb3: {  	[dreg:$0x5] =	wrdreg $0x9  }
0xb4: {  	_ =	task.clear_ibuf [dreg:s9], $0x6FFFF;
	_ =	strace $0x90000046  }
0xb5: {  	s29 =	simm.s32 $0x9;
	_ =	strace $0x80000048  }
0xb6: {  	_ =	swait.ge [sflag:s29], $0x1  }
0xb7: {  	[sflag:s29] =	ssyncadd.s32 $0xFFFFFFFF  }
0xb8: {  	_ =	strace $0x90000048  }
0xb9: {  	_ =	sfence  }
0xba: {  	s30 =	sld [smem:$0x0];
	_ =	sdelay $0x2  }
0xbb: {  	s31 =	sshll.u32 s1, $0xD;
	s1 =	sshrl.u32 s1, $0x2  }
0xbc: {  	s3 =	sand.u32 $0x4000, s31;
	s1 =	sadd.s32 s1, s30  }
0xbd: {  	s0 =	sor.u32 s3, s0;
	s1 =	sshll.u32 s1, $0x11  }
0xbe: {  	s0 =	sor.u32 s1, s0  }
0xbf: {  	s0 =	sadd.s32 $0x8F2B, s0  }
0xc0: {  	[sflag:s0] =	ssyncadd.remote.s32 $0x1  }
0xc1: {  	_ =	sfence.sel $0xFFFF  }
0xc2: {  	[dreg:$0x0] =	wrdreg $0xFFFFFFFF;
	(pc) =	sbr.abs _section_cstart, $3  }
0xc3: {  	[dreg:$0x1] =	wrdreg $0xFFFFFFFF  }
0xc4: {  	_ =	task.clear_ibuf [dreg:s9], $0x2FFFF;
	_ =	strace $0x9FFFFFFF  }
0xc5: {  	(tm) =	ssettm $0x7FFFFFFF  }
tec
execute0_lowered:
.L_overlay_start_1:
0x0: {  	(tag) =	ssettag $0x1  }
0x1: {  	s3 =	rddreg [dreg:$0x2];
	s0 =	srdreg.scid  }
0x2: {  	s4 =	simm.s32 $0x0;
	s5 =	stileid.u32;
	s28 =	simm.s32 $0x3  }
0x3: {  	s29 =	simm.s32 $0x1;
	s30 =	simm.s32 $0x10;
	s31 =	simm.s32 $0x80  }
0x4: {  	s0 =	sand.u32 $0x1, s0;
	[smem:$0x7FF] =	sst s4;
	s25 =	sshll.u32 s5, $0xE  }
0x5: {  	s7 =	sadd.s32 $0x40000, s3;
	s8 =	sadd.s32 $0x80000, s3;
	s9 =	sadd.s32 $0xC0000, s3  }
0x6: {  	s10 =	sadd.s32 $0x100000, s3;
	s11 =	sadd.s32 $0x140000, s3;
	s12 =	sadd.s32 $0x180000, s3  }
0x7: {  	s13 =	sadd.s32 $0x1C0000, s3;
	s14 =	sadd.s32 $0x200000, s3;
	s15 =	sadd.s32 $0x240000, s3  }
0x8: {  	s16 =	sadd.s32 $0x280000, s3;
	s17 =	sadd.s32 $0x2C0000, s3;
	s18 =	sadd.s32 $0x300000, s3  }
0x9: {  	s19 =	sadd.s32 $0x340000, s3;
	s20 =	sadd.s32 $0x380000, s3;
	s21 =	sadd.s32 $0x3C0000, s3  }
0xa: {  	s22 =	sadd.s32 $0x400000, s3;
	s23 =	sadd.s32 $0x440000, s3;
	s1 =	ssub.s32 $0x2, s0  }
0xb: {  	s24 =	sadd.s32 $0x8, s3;
	s3 =	simm.s32 $0x193A8;
	s2 =	sshrl.u32 s1, $0x1  }
0xc: {  	s5 =	simm.s32 $0x0;
	s0 =	sshll.u32 s0, $0xD;
	s1 =	ssub.s32 s1, s2  }
0xd: {  	_ =	strace $0x80000047;
	s6 =	sor.u32 s0, s25;
	s26 =	smax.u32 s1, $0x1  }
0xe: {  	vm0 =	vmmov $0x7f;
	s1 =	simm.s32 $0x183A8;
	[dreg:$0x4] =	wrdreg s26;
	s26 =	simm.s32 $0x8000  }
.LBB2_1:
0xf: {  	[dreg:$0x5] =	wrdreg s5  }
0x10: {  	s0 =	rddreg [dreg:$0x1]  }
0x11: {  	[tilespmem:s26], [sflag:$0x3] =	stream.linear.gather [hbm4b:s0+s4], $0x3A8, $0x38;
	[tilespmem:$0x1A3A8] =	vst v63  }
0x12: {  	_ =	swait.ge [sflag:s28], $0x3A8  }
0x13: {  	p1 =	por $0x1, $0x1;
	[sflag:s28] =	ssyncset.done $0x0  }
0x14: {  	p2 =	por $0x0, $0x0;
	s0 =	simm.s32 $0x0;
	[sflag:s28] =	ssyncadd.s32 $0xFFFFFC58  }
.LBB2_2:
0x15: {  	s0 =	sor.u32 s6, s0;
	s2 =	rddreg [dreg:$0x0]  }
0x16: {  	s2 =	sadd.s32 s2, s0  }
0x17: {  	[tilespmem:s4], [sflag:$0x3] =	stream.linear.gather [hbm4b:s2+s4], $0x8000, $0x38;
	[tilespmem:$0x1A3A8] =	vst v63  }
0x18: {  	_ =	swait.ge [sflag:s28], $0x8000  }
0x19: {  	[sflag:s28] =	ssyncset.done $0x0  }
0x1a: {  	[sflag:s28] =	ssyncadd.s32 $0xFFFF8000  }
0x1b: {  	s5 =	rddreg [dreg:$0x2]  }
0x1c: {  	s2 =	sadd.s32 s5, s0  }
0x1d: {  	[hbm4b:s2+s4] =	stream.linear.scatter [tilespmem:s4], [sflag:$0x1], $0x8000, $0x38;
	[tilespmem:$0x1A3A8] =	vst v63  }
0x1e: {  	s25 =	sadd.s32 s0, s7  }
0x1f: {  	[hbm4b:s25+s4] =	stream.linear.scatter [tilespmem:s4], [sflag:$0x1], $0x8000, $0x38;
	[tilespmem:$0x1A3A8] =	vst v63  }
0x20: {  	s5 =	sadd.s32 s0, s8  }
0x21: {  	[hbm4b:s5+s4] =	stream.linear.scatter [tilespmem:s4], [sflag:$0x1], $0x8000, $0x38;
	[tilespmem:$0x1A3A8] =	vst v63  }
0x22: {  	s25 =	sadd.s32 s0, s9  }
0x23: {  	[hbm4b:s25+s4] =	stream.linear.scatter [tilespmem:s4], [sflag:$0x1], $0x8000, $0x38;
	[tilespmem:$0x1A3A8] =	vst v63  }
0x24: {  	s5 =	sadd.s32 s0, s10  }
0x25: {  	[hbm4b:s5+s4] =	stream.linear.scatter [tilespmem:s4], [sflag:$0x1], $0x8000, $0x38;
	[tilespmem:$0x1A3A8] =	vst v63  }
0x26: {  	s25 =	sadd.s32 s0, s11  }
0x27: {  	[hbm4b:s25+s4] =	stream.linear.scatter [tilespmem:s4], [sflag:$0x1], $0x8000, $0x38;
	[tilespmem:$0x1A3A8] =	vst v63  }
0x28: {  	s5 =	sadd.s32 s0, s12  }
0x29: {  	[hbm4b:s5+s4] =	stream.linear.scatter [tilespmem:s4], [sflag:$0x1], $0x8000, $0x38;
	[tilespmem:$0x1A3A8] =	vst v63  }
0x2a: {  	s25 =	sadd.s32 s0, s13  }
0x2b: {  	[hbm4b:s25+s4] =	stream.linear.scatter [tilespmem:s4], [sflag:$0x1], $0x8000, $0x38;
	[tilespmem:$0x1A3A8] =	vst v63  }
0x2c: {  	s5 =	sadd.s32 s0, s14  }
0x2d: {  	[hbm4b:s5+s4] =	stream.linear.scatter [tilespmem:s4], [sflag:$0x1], $0x8000, $0x38;
	[tilespmem:$0x1A3A8] =	vst v63  }
0x2e: {  	s25 =	sadd.s32 s0, s15  }
0x2f: {  	[hbm4b:s25+s4] =	stream.linear.scatter [tilespmem:s4], [sflag:$0x1], $0x8000, $0x38;
	[tilespmem:$0x1A3A8] =	vst v63  }
0x30: {  	s5 =	sadd.s32 s0, s16  }
0x31: {  	[hbm4b:s5+s4] =	stream.linear.scatter [tilespmem:s4], [sflag:$0x1], $0x8000, $0x38;
	[tilespmem:$0x1A3A8] =	vst v63  }
0x32: {  	s25 =	sadd.s32 s0, s17  }
0x33: {  	[hbm4b:s25+s4] =	stream.linear.scatter [tilespmem:s4], [sflag:$0x1], $0x8000, $0x38;
	[tilespmem:$0x1A3A8] =	vst v63  }
0x34: {  	s5 =	sadd.s32 s0, s18  }
0x35: {  	[hbm4b:s5+s4] =	stream.linear.scatter [tilespmem:s4], [sflag:$0x1], $0x8000, $0x38;
	[tilespmem:$0x1A3A8] =	vst v63  }
0x36: {  	s25 =	sadd.s32 s0, s19  }
0x37: {  	[hbm4b:s25+s4] =	stream.linear.scatter [tilespmem:s4], [sflag:$0x1], $0x8000, $0x38;
	[tilespmem:$0x1A3A8] =	vst v63  }
0x38: {  	s5 =	sadd.s32 s0, s20  }
0x39: {  	[hbm4b:s5+s4] =	stream.linear.scatter [tilespmem:s4], [sflag:$0x1], $0x8000, $0x38;
	[tilespmem:$0x1A3A8] =	vst v63  }
0x3a: {  	s25 =	sadd.s32 s0, s21  }
0x3b: {  	[hbm4b:s25+s4] =	stream.linear.scatter [tilespmem:s4], [sflag:$0x1], $0x8000, $0x38;
	[tilespmem:$0x1A3A8] =	vst v63  }
0x3c: {  	s5 =	sadd.s32 s0, s22  }
0x3d: {  	[hbm4b:s5+s4] =	stream.linear.scatter [tilespmem:s4], [sflag:$0x1], $0x8000, $0x38;
	[tilespmem:$0x1A3A8] =	vst v63  }
0x3e: {  	s2 =	simm.s32 @p2 $0x2;
	s25 =	sadd.s32 s0, s23  }
0x3f: {  	[hbm4b:s25+s4] =	stream.linear.scatter [tilespmem:s4], [sflag:$0x1], $0x8000, $0x38;
	[tilespmem:$0x1A3A8] =	vst v63  }
0x40: {  	_ =	swait.ge @p2 [sflag:s2], $0x12000  }
0x41: {  	[sflag:s2] =	ssyncset.done @p2 $0x0  }
0x42: {  	s5 =	simm.s32 $0x40;
	[sflag:s2] =	ssyncadd.s32 @p2 $0xFFFEE000  }
0x43: {  	v0 =	vld [tilespmem:s5+$0x0];
	_ =	sdelay $0x4  }
0x44: {  	v1 =	vtrunc.f32 v0  }
0x45: {  	v1 =	vcvt.f32.s32 v1;
	_ =	sdelay $0x1  }
0x46: {  	v1 =	vmul.u32 $0x12, v1;
	_ =	sdelay $0x5  }
0x47: {  	v2 =	vld.idx.msk [tilespmem:v1+s26+$0x0], $0xffff;
	_ =	sdelay $0x1  }
0x48: {  	v3 =	vor.u32 $0x1, v1;
	_ =	sdelay $0x2  }
0x49: {  	s2 =	simm.s32 $0x0;
	v2 =	vsel vm0, v2, v0  }
0x4a: {  	[tilespmem:s2+$0x83A8] =	vst v2  }
0x4b: {  	v2 =	vld.idx.msk [tilespmem:v3+s26+$0x0], $0xffff;
	_ =	sdelay $0x1  }
0x4c: {  	v3 =	vadd.s32 $0x2, v1;
	_ =	sdelay $0x2  }
0x4d: {  	v2 =	vsel vm0, v2, v0  }
0x4e: {  	[tilespmem:s2+$0x93A8] =	vst v2  }
0x4f: {  	v2 =	vld.idx.msk [tilespmem:v3+s26+$0x0], $0xffff;
	_ =	sdelay $0x1  }
0x50: {  	v3 =	vadd.s32 $0x3, v1;
	_ =	sdelay $0x2  }
0x51: {  	v2 =	vsel vm0, v2, v0  }
0x52: {  	[tilespmem:s2+$0xA3A8] =	vst v2  }
0x53: {  	v2 =	vld.idx.msk [tilespmem:v3+s26+$0x0], $0xffff;
	_ =	sdelay $0x1  }
0x54: {  	v3 =	vadd.s32 $0x4, v1;
	_ =	sdelay $0x2  }
0x55: {  	v2 =	vsel vm0, v2, v0  }
0x56: {  	[tilespmem:s2+$0xB3A8] =	vst v2  }
0x57: {  	v2 =	vld.idx.msk [tilespmem:v3+s26+$0x0], $0xffff;
	_ =	sdelay $0x1  }
0x58: {  	v3 =	vadd.s32 $0x5, v1;
	_ =	sdelay $0x2  }
0x59: {  	v2 =	vsel vm0, v2, v0  }
0x5a: {  	[tilespmem:s2+$0xC3A8] =	vst v2  }
0x5b: {  	v2 =	vld.idx.msk [tilespmem:v3+s26+$0x0], $0xffff;
	_ =	sdelay $0x1  }
0x5c: {  	v3 =	vadd.s32 $0x6, v1;
	_ =	sdelay $0x2  }
0x5d: {  	v2 =	vsel vm0, v2, v0  }
0x5e: {  	[tilespmem:s2+$0xD3A8] =	vst v2  }
0x5f: {  	v2 =	vld.idx.msk [tilespmem:v3+s26+$0x0], $0xffff;
	_ =	sdelay $0x1  }
0x60: {  	v3 =	vadd.s32 $0x7, v1;
	_ =	sdelay $0x2  }
0x61: {  	v2 =	vsel vm0, v2, v0  }
0x62: {  	[tilespmem:s2+$0xE3A8] =	vst v2  }
0x63: {  	v2 =	vld.idx.msk [tilespmem:v3+s26+$0x0], $0xffff;
	_ =	sdelay $0x1  }
0x64: {  	v3 =	vadd.s32 $0x8, v1;
	_ =	sdelay $0x2  }
0x65: {  	v2 =	vsel vm0, v2, v0  }
0x66: {  	[tilespmem:s2+$0xF3A8] =	vst v2  }
0x67: {  	v2 =	vld.idx.msk [tilespmem:v3+s26+$0x0], $0xffff;
	_ =	sdelay $0x1  }
0x68: {  	v3 =	vadd.s32 $0x9, v1;
	_ =	sdelay $0x2  }
0x69: {  	v2 =	vsel vm0, v2, v0  }
0x6a: {  	[tilespmem:s2+$0x103A8] =	vst v2  }
0x6b: {  	v2 =	vld.idx.msk [tilespmem:v3+s26+$0x0], $0xffff;
	_ =	sdelay $0x1  }
0x6c: {  	v3 =	vadd.s32 $0xA, v1;
	_ =	sdelay $0x2  }
0x6d: {  	v2 =	vsel vm0, v2, v0  }
0x6e: {  	[tilespmem:s2+$0x113A8] =	vst v2  }
0x6f: {  	v2 =	vld.idx.msk [tilespmem:v3+s26+$0x0], $0xffff;
	_ =	sdelay $0x1  }
0x70: {  	v3 =	vadd.s32 $0xB, v1;
	_ =	sdelay $0x2  }
0x71: {  	v2 =	vsel vm0, v2, v0  }
0x72: {  	[tilespmem:s2+$0x123A8] =	vst v2  }
0x73: {  	v2 =	vld.idx.msk [tilespmem:v3+s26+$0x0], $0xffff;
	_ =	sdelay $0x1  }
0x74: {  	v3 =	vadd.s32 $0xC, v1;
	_ =	sdelay $0x2  }
0x75: {  	v2 =	vsel vm0, v2, v0  }
0x76: {  	[tilespmem:s2+$0x133A8] =	vst v2  }
0x77: {  	v2 =	vld.idx.msk [tilespmem:v3+s26+$0x0], $0xffff;
	_ =	sdelay $0x1  }
0x78: {  	v3 =	vadd.s32 $0xD, v1;
	_ =	sdelay $0x2  }
0x79: {  	v2 =	vsel vm0, v2, v0  }
0x7a: {  	[tilespmem:s2+$0x143A8] =	vst v2  }
0x7b: {  	v2 =	vld.idx.msk [tilespmem:v3+s26+$0x0], $0xffff;
	_ =	sdelay $0x1  }
0x7c: {  	v3 =	vadd.s32 $0xE, v1;
	_ =	sdelay $0x2  }
0x7d: {  	v2 =	vsel vm0, v2, v0  }
0x7e: {  	[tilespmem:s2+$0x153A8] =	vst v2  }
0x7f: {  	v2 =	vld.idx.msk [tilespmem:v3+s26+$0x0], $0xffff;
	_ =	sdelay $0x1  }
0x80: {  	v3 =	vadd.s32 $0xF, v1;
	_ =	sdelay $0x2  }
0x81: {  	v2 =	vsel vm0, v2, v0  }
0x82: {  	[tilespmem:s2+$0x163A8] =	vst v2  }
0x83: {  	v2 =	vld.idx.msk [tilespmem:v3+s26+$0x0], $0xffff;
	_ =	sdelay $0x1  }
0x84: {  	v3 =	vadd.s32 $0x10, v1;
	_ =	sdelay $0x2  }
0x85: {  	v2 =	vsel vm0, v2, v0  }
0x86: {  	[tilespmem:s2+$0x173A8] =	vst v2  }
0x87: {  	v2 =	vld.idx.msk [tilespmem:v3+s26+$0x0], $0xffff;
	_ =	sdelay $0x1  }
0x88: {  	v1 =	vadd.s32 $0x11, v1;
	_ =	sdelay $0x2  }
0x89: {  	v2 =	vsel vm0, v2, v0  }
0x8a: {  	[tilespmem:s2+$0x183A8] =	vst v2  }
0x8b: {  	v1 =	vld.idx.msk [tilespmem:v1+s26+$0x0], $0xffff;
	_ =	sdelay $0x4  }
0x8c: {  	p0 =	por p1, p1;
	s25 =	simm.s32 $0x40;
	v0 =	vsel vm0, v1, v0  }
.LBB2_3:
0x8d: {  	p1 =	sne.s32 s25, $0x3FC0  }
0x8e: {  	[tilespmem:s2+$0x193A8] =	vst v0;
	s5 =	sadd.s32 $0x80, s5;
	s2 =	smov.u32 s25;
	s25 =	sadd.s32 $0x40, s25  }
0x8f: {  	v0 =	vld [tilespmem:s5+$0x0];
	_ =	sdelay $0x4  }
0x90: {  	v1 =	vtrunc.f32 v0  }
0x91: {  	v1 =	vcvt.f32.s32 v1;
	_ =	sdelay $0x1  }
0x92: {  	v1 =	vmul.u32 $0x12, v1;
	_ =	sdelay $0x5  }
0x93: {  	v2 =	vld.idx.msk [tilespmem:v1+s26+$0x0], $0xffff;
	_ =	sdelay $0x2  }
0x94: {  	v3 =	vor.u32 $0x1, v1;
	_ =	sdelay $0x2  }
0x95: {  	s2 =	sshra.s32 s2, $0x2;
	v2 =	vsel vm0, v2, v0  }
0x96: {  	[tilespmem:s2+$0x83A8] =	vst v2  }
0x97: {  	v2 =	vld.idx.msk [tilespmem:v3+s26+$0x0], $0xffff;
	_ =	sdelay $0x2  }
0x98: {  	v3 =	vadd.s32 $0x2, v1;
	_ =	sdelay $0x2  }
0x99: {  	v2 =	vsel vm0, v2, v0  }
0x9a: {  	[tilespmem:s2+$0x93A8] =	vst v2  }
0x9b: {  	v2 =	vld.idx.msk [tilespmem:v3+s26+$0x0], $0xffff;
	_ =	sdelay $0x2  }
0x9c: {  	v3 =	vadd.s32 $0x3, v1;
	_ =	sdelay $0x2  }
0x9d: {  	v2 =	vsel vm0, v2, v0  }
0x9e: {  	[tilespmem:s2+$0xA3A8] =	vst v2  }
0x9f: {  	v2 =	vld.idx.msk [tilespmem:v3+s26+$0x0], $0xffff;
	_ =	sdelay $0x2  }
0xa0: {  	v3 =	vadd.s32 $0x4, v1;
	_ =	sdelay $0x2  }
0xa1: {  	v2 =	vsel vm0, v2, v0  }
0xa2: {  	[tilespmem:s2+$0xB3A8] =	vst v2  }
0xa3: {  	v2 =	vld.idx.msk [tilespmem:v3+s26+$0x0], $0xffff;
	_ =	sdelay $0x2  }
0xa4: {  	v3 =	vadd.s32 $0x5, v1;
	_ =	sdelay $0x2  }
0xa5: {  	v2 =	vsel vm0, v2, v0  }
0xa6: {  	[tilespmem:s2+$0xC3A8] =	vst v2  }
0xa7: {  	v2 =	vld.idx.msk [tilespmem:v3+s26+$0x0], $0xffff;
	_ =	sdelay $0x2  }
0xa8: {  	v3 =	vadd.s32 $0x6, v1;
	_ =	sdelay $0x2  }
0xa9: {  	v2 =	vsel vm0, v2, v0  }
0xaa: {  	[tilespmem:s2+$0xD3A8] =	vst v2  }
0xab: {  	v2 =	vld.idx.msk [tilespmem:v3+s26+$0x0], $0xffff;
	_ =	sdelay $0x2  }
0xac: {  	v3 =	vadd.s32 $0x7, v1;
	_ =	sdelay $0x2  }
0xad: {  	v2 =	vsel vm0, v2, v0  }
0xae: {  	[tilespmem:s2+$0xE3A8] =	vst v2  }
0xaf: {  	v2 =	vld.idx.msk [tilespmem:v3+s26+$0x0], $0xffff;
	_ =	sdelay $0x2  }
0xb0: {  	v3 =	vadd.s32 $0x8, v1;
	_ =	sdelay $0x2  }
0xb1: {  	v2 =	vsel vm0, v2, v0  }
0xb2: {  	[tilespmem:s2+$0xF3A8] =	vst v2  }
0xb3: {  	v2 =	vld.idx.msk [tilespmem:v3+s26+$0x0], $0xffff;
	_ =	sdelay $0x2  }
0xb4: {  	v3 =	vadd.s32 $0x9, v1;
	_ =	sdelay $0x2  }
0xb5: {  	v2 =	vsel vm0, v2, v0  }
0xb6: {  	[tilespmem:s2+$0x103A8] =	vst v2  }
0xb7: {  	v2 =	vld.idx.msk [tilespmem:v3+s26+$0x0], $0xffff;
	_ =	sdelay $0x2  }
0xb8: {  	v3 =	vadd.s32 $0xA, v1;
	_ =	sdelay $0x2  }
0xb9: {  	v2 =	vsel vm0, v2, v0  }
0xba: {  	[tilespmem:s2+$0x113A8] =	vst v2  }
0xbb: {  	v2 =	vld.idx.msk [tilespmem:v3+s26+$0x0], $0xffff;
	_ =	sdelay $0x2  }
0xbc: {  	v3 =	vadd.s32 $0xB, v1;
	_ =	sdelay $0x2  }
0xbd: {  	v2 =	vsel vm0, v2, v0  }
0xbe: {  	[tilespmem:s2+$0x123A8] =	vst v2  }
0xbf: {  	v2 =	vld.idx.msk [tilespmem:v3+s26+$0x0], $0xffff;
	_ =	sdelay $0x2  }
0xc0: {  	v3 =	vadd.s32 $0xC, v1;
	_ =	sdelay $0x2  }
0xc1: {  	v2 =	vsel vm0, v2, v0  }
0xc2: {  	[tilespmem:s2+$0x133A8] =	vst v2  }
0xc3: {  	v2 =	vld.idx.msk [tilespmem:v3+s26+$0x0], $0xffff;
	_ =	sdelay $0x2  }
0xc4: {  	v3 =	vadd.s32 $0xD, v1;
	_ =	sdelay $0x2  }
0xc5: {  	v2 =	vsel vm0, v2, v0  }
0xc6: {  	[tilespmem:s2+$0x143A8] =	vst v2  }
0xc7: {  	v2 =	vld.idx.msk [tilespmem:v3+s26+$0x0], $0xffff;
	_ =	sdelay $0x2  }
0xc8: {  	v3 =	vadd.s32 $0xE, v1;
	_ =	sdelay $0x2  }
0xc9: {  	v2 =	vsel vm0, v2, v0  }
0xca: {  	[tilespmem:s2+$0x153A8] =	vst v2  }
0xcb: {  	v2 =	vld.idx.msk [tilespmem:v3+s26+$0x0], $0xffff;
	_ =	sdelay $0x2  }
0xcc: {  	v3 =	vadd.s32 $0xF, v1;
	_ =	sdelay $0x2  }
0xcd: {  	v2 =	vsel vm0, v2, v0  }
0xce: {  	[tilespmem:s2+$0x163A8] =	vst v2  }
0xcf: {  	v2 =	vld.idx.msk [tilespmem:v3+s26+$0x0], $0xffff;
	_ =	sdelay $0x2  }
0xd0: {  	v3 =	vadd.s32 $0x10, v1;
	_ =	sdelay $0x2  }
0xd1: {  	v2 =	vsel vm0, v2, v0  }
0xd2: {  	[tilespmem:s2+$0x173A8] =	vst v2  }
0xd3: {  	v2 =	vld.idx.msk [tilespmem:v3+s26+$0x0], $0xffff;
	_ =	sdelay $0x2  }
0xd4: {  	v1 =	vadd.s32 $0x11, v1;
	_ =	sdelay $0x2  }
0xd5: {  	v2 =	vsel vm0, v2, v0  }
0xd6: {  	[tilespmem:s2+$0x183A8] =	vst v2  }
0xd7: {  	v1 =	vld.idx.msk [tilespmem:v1+s26+$0x0], $0xffff;
	_ =	sdelay $0x1  }
.Ltmp0:
0xd8: {  	(pc) =	sbr.rel @p1 .LBB2_3-.Ltmp0, $2  }
0xd9: {  	_ =	sdelay $0x2  }
0xda: {  	v0 =	vsel vm0, v1, v0  }
0xdb: {  	[tilespmem:s2+$0x193A8] =	vst v0  }
0xdc: {  	_ =	swait.ge [sflag:s29], $0x8000  }
0xdd: {  	[sflag:s29] =	ssyncset.done $0x0  }
0xde: {  	[sflag:s29] =	ssyncadd.s32 $0xFFFF8000  }
0xdf: {  	_ =	swait.ge [sflag:s29], $0x8000  }
0xe0: {  	[sflag:s29] =	ssyncset.done $0x0  }
0xe1: {  	[sflag:s29] =	ssyncadd.s32 $0xFFFF8000  }
0xe2: {  	_ =	swait.ge [sflag:s29], $0x8000  }
0xe3: {  	[sflag:s29] =	ssyncset.done $0x0  }
0xe4: {  	[sflag:s29] =	ssyncadd.s32 $0xFFFF8000  }
0xe5: {  	_ =	swait.ge [sflag:s29], $0x8000  }
0xe6: {  	[sflag:s29] =	ssyncset.done $0x0  }
0xe7: {  	[sflag:s29] =	ssyncadd.s32 $0xFFFF8000  }
0xe8: {  	_ =	swait.ge [sflag:s29], $0x8000  }
0xe9: {  	[sflag:s29] =	ssyncset.done $0x0  }
0xea: {  	[sflag:s29] =	ssyncadd.s32 $0xFFFF8000  }
0xeb: {  	_ =	swait.ge [sflag:s29], $0x8000  }
0xec: {  	[sflag:s29] =	ssyncset.done $0x0  }
0xed: {  	[sflag:s29] =	ssyncadd.s32 $0xFFFF8000  }
0xee: {  	_ =	swait.ge [sflag:s29], $0x8000  }
0xef: {  	[sflag:s29] =	ssyncset.done $0x0  }
0xf0: {  	[sflag:s29] =	ssyncadd.s32 $0xFFFF8000  }
0xf1: {  	_ =	swait.ge [sflag:s29], $0x8000  }
0xf2: {  	[sflag:s29] =	ssyncset.done $0x0  }
0xf3: {  	[sflag:s29] =	ssyncadd.s32 $0xFFFF8000  }
0xf4: {  	_ =	swait.ge [sflag:s29], $0x8000  }
0xf5: {  	[sflag:s29] =	ssyncset.done $0x0  }
0xf6: {  	[sflag:s29] =	ssyncadd.s32 $0xFFFF8000  }
0xf7: {  	_ =	swait.ge [sflag:s29], $0x8000  }
0xf8: {  	[sflag:s29] =	ssyncset.done $0x0  }
0xf9: {  	[sflag:s29] =	ssyncadd.s32 $0xFFFF8000  }
0xfa: {  	_ =	swait.ge [sflag:s29], $0x8000  }
0xfb: {  	[sflag:s29] =	ssyncset.done $0x0  }
0xfc: {  	[sflag:s29] =	ssyncadd.s32 $0xFFFF8000  }
0xfd: {  	_ =	swait.ge [sflag:s29], $0x8000  }
0xfe: {  	[sflag:s29] =	ssyncset.done $0x0  }
0xff: {  	[sflag:s29] =	ssyncadd.s32 $0xFFFF8000  }
0x100: {  	_ =	swait.ge [sflag:s29], $0x8000  }
0x101: {  	[sflag:s29] =	ssyncset.done $0x0  }
0x102: {  	[sflag:s29] =	ssyncadd.s32 $0xFFFF8000  }
0x103: {  	_ =	swait.ge [sflag:s29], $0x8000  }
0x104: {  	[sflag:s29] =	ssyncset.done $0x0  }
0x105: {  	[sflag:s29] =	ssyncadd.s32 $0xFFFF8000  }
0x106: {  	_ =	swait.ge [sflag:s29], $0x8000  }
0x107: {  	[sflag:s29] =	ssyncset.done $0x0  }
0x108: {  	[sflag:s29] =	ssyncadd.s32 $0xFFFF8000  }
0x109: {  	_ =	swait.ge [sflag:s29], $0x8000  }
0x10a: {  	[sflag:s29] =	ssyncset.done $0x0  }
0x10b: {  	[sflag:s29] =	ssyncadd.s32 $0xFFFF8000  }
0x10c: {  	_ =	swait.ge [sflag:s29], $0x8000  }
0x10d: {  	[sflag:s29] =	ssyncset.done $0x0  }
0x10e: {  	[sflag:s29] =	ssyncadd.s32 $0xFFFF8000  }
0x10f: {  	_ =	swait.ge [sflag:s29], $0x8000  }
0x110: {  	[sflag:s29] =	ssyncset.done $0x0  }
0x111: {  	s0 =	sadd.s32 s0, s24;
	s5 =	simm.s32 $0x83A8;
	[sflag:s29] =	ssyncadd.s32 $0xFFFF8000  }
0x112: {  	[hbm4b:s0+s30] =	stream.strided.scatter [tilespmem:s5], [sflag:$0x2], $0x1000, s31, s30, $0x38;
	[tilespmem:$0x1A3A8] =	vst v63  }
0x113: {  	s25 =	sadd.s32 $0x40000, s0;
	s5 =	simm.s32 $0x93A8  }
0x114: {  	[hbm4b:s25+s30] =	stream.strided.scatter [tilespmem:s5], [sflag:$0x2], $0x1000, s31, s30, $0x38;
	[tilespmem:$0x1A3A8] =	vst v63  }
0x115: {  	s5 =	sadd.s32 $0x80000, s0;
	s25 =	simm.s32 $0xA3A8  }
0x116: {  	[hbm4b:s5+s30] =	stream.strided.scatter [tilespmem:s25], [sflag:$0x2], $0x1000, s31, s30, $0x38;
	[tilespmem:$0x1A3A8] =	vst v63  }
0x117: {  	s5 =	sadd.s32 $0xC0000, s0;
	s25 =	simm.s32 $0xB3A8  }
0x118: {  	[hbm4b:s5+s30] =	stream.strided.scatter [tilespmem:s25], [sflag:$0x2], $0x1000, s31, s30, $0x38;
	[tilespmem:$0x1A3A8] =	vst v63  }
0x119: {  	s5 =	sadd.s32 $0x100000, s0;
	s25 =	simm.s32 $0xC3A8  }
0x11a: {  	[hbm4b:s5+s30] =	stream.strided.scatter [tilespmem:s25], [sflag:$0x2], $0x1000, s31, s30, $0x38;
	[tilespmem:$0x1A3A8] =	vst v63  }
0x11b: {  	s5 =	sadd.s32 $0x140000, s0;
	s25 =	simm.s32 $0xD3A8  }
0x11c: {  	[hbm4b:s5+s30] =	stream.strided.scatter [tilespmem:s25], [sflag:$0x2], $0x1000, s31, s30, $0x38;
	[tilespmem:$0x1A3A8] =	vst v63  }
0x11d: {  	s5 =	sadd.s32 $0x180000, s0;
	s25 =	simm.s32 $0xE3A8  }
0x11e: {  	[hbm4b:s5+s30] =	stream.strided.scatter [tilespmem:s25], [sflag:$0x2], $0x1000, s31, s30, $0x38;
	[tilespmem:$0x1A3A8] =	vst v63  }
0x11f: {  	s5 =	sadd.s32 $0x1C0000, s0;
	s25 =	simm.s32 $0xF3A8  }
0x120: {  	[hbm4b:s5+s30] =	stream.strided.scatter [tilespmem:s25], [sflag:$0x2], $0x1000, s31, s30, $0x38;
	[tilespmem:$0x1A3A8] =	vst v63  }
0x121: {  	s5 =	sadd.s32 $0x200000, s0;
	s25 =	simm.s32 $0x103A8  }
0x122: {  	[hbm4b:s5+s30] =	stream.strided.scatter [tilespmem:s25], [sflag:$0x2], $0x1000, s31, s30, $0x38;
	[tilespmem:$0x1A3A8] =	vst v63  }
0x123: {  	s5 =	sadd.s32 $0x240000, s0;
	s25 =	simm.s32 $0x113A8  }
0x124: {  	[hbm4b:s5+s30] =	stream.strided.scatter [tilespmem:s25], [sflag:$0x2], $0x1000, s31, s30, $0x38;
	[tilespmem:$0x1A3A8] =	vst v63  }
0x125: {  	s5 =	sadd.s32 $0x280000, s0;
	s25 =	simm.s32 $0x123A8  }
0x126: {  	[hbm4b:s5+s30] =	stream.strided.scatter [tilespmem:s25], [sflag:$0x2], $0x1000, s31, s30, $0x38;
	[tilespmem:$0x1A3A8] =	vst v63  }
0x127: {  	s5 =	sadd.s32 $0x2C0000, s0;
	s25 =	simm.s32 $0x133A8  }
0x128: {  	[hbm4b:s5+s30] =	stream.strided.scatter [tilespmem:s25], [sflag:$0x2], $0x1000, s31, s30, $0x38;
	[tilespmem:$0x1A3A8] =	vst v63  }
0x129: {  	s5 =	sadd.s32 $0x300000, s0;
	s25 =	simm.s32 $0x143A8  }
0x12a: {  	[hbm4b:s5+s30] =	stream.strided.scatter [tilespmem:s25], [sflag:$0x2], $0x1000, s31, s30, $0x38;
	[tilespmem:$0x1A3A8] =	vst v63  }
0x12b: {  	s5 =	sadd.s32 $0x340000, s0;
	s25 =	simm.s32 $0x153A8  }
0x12c: {  	[hbm4b:s5+s30] =	stream.strided.scatter [tilespmem:s25], [sflag:$0x2], $0x1000, s31, s30, $0x38;
	[tilespmem:$0x1A3A8] =	vst v63  }
0x12d: {  	s5 =	sadd.s32 $0x380000, s0;
	s25 =	simm.s32 $0x163A8  }
0x12e: {  	[hbm4b:s5+s30] =	stream.strided.scatter [tilespmem:s25], [sflag:$0x2], $0x1000, s31, s30, $0x38;
	[tilespmem:$0x1A3A8] =	vst v63  }
0x12f: {  	s5 =	sadd.s32 $0x3C0000, s0;
	s25 =	simm.s32 $0x173A8  }
0x130: {  	[hbm4b:s5+s30] =	stream.strided.scatter [tilespmem:s25], [sflag:$0x2], $0x1000, s31, s30, $0x38;
	[tilespmem:$0x1A3A8] =	vst v63  }
.Ltmp1:
0x131: {  	s25 =	sadd.s32 $0x400000, s0;
	(pc) =	sbr.rel @p0 .LBB2_2-.Ltmp1, $4  }
0x132: {  	[hbm4b:s25+s30] =	stream.strided.scatter [tilespmem:s1], [sflag:$0x2], $0x1000, s31, s30, $0x38;
	[tilespmem:$0x1A3A8] =	vst v63  }
0x133: {  	s0 =	sadd.s32 $0x440000, s0  }
0x134: {  	[hbm4b:s0+s30] =	stream.strided.scatter [tilespmem:s3], [sflag:$0x2], $0x1000, s31, s30, $0x38;
	[tilespmem:$0x1A3A8] =	vst v63  }
0x135: {  	p1 =	por $0x0, $0x0;
	p2 =	por $0x1, $0x1;
	s0 =	simm.s32 $0x1000  }
0x136: {  	s2 =	simm.s32 $0x2  }
0x137: {  	_ =	swait.ge [sflag:s2], $0x12000  }
0x138: {  	s5 =	rddreg [dreg:$0x5]  }
0x139: {  	s0 =	rddreg [dreg:$0x4];
	s5 =	sadd.s32 $0x1, s5  }
0x13a: {  	p0 =	sne.s32 s5, s0  }
.Ltmp2:
0x13b: {  	_ = 	snop;
	(pc) =	sbr.rel @p0 .LBB2_1-.Ltmp2, $3  }
0x13c: {  	_ =	sdelay $0x1  }
0x13d: {  	[sflag:s2] =	ssyncset.done $0x0  }
0x13e: {  	[sflag:s2] =	ssyncadd.s32 $0xFFFEE000  }
0x13f: {  	_ =	sfence.sel $0x180000  }
0x140: {  	[bflag:$0x0] =	sbarrier.arrive $0xFFFF  }
0x141: {  	_ =	strace $0x90000047  }
0x142: {  	s0 =	stileid.u32;
	[bflag:$0x2] =	sbarrier.arrive $0xFFFF  }
0x143: {  	p0 =	sne.s32 s0, $0x0;
	s0 =	rddreg [dreg:$0x3]  }
0x144: {  	s0 =	sadd.s32 @!p0 $0x100000, s0  }
0x145: {  	[sflag:s0] =	ssyncadd.tile.s32 @!p0 $0x1;
	_ =	shalt  }
.Lfunc_end2:
_tile_overlayer_lowered:
.L_overlay_start_2:
0x146: {  	(tag) =	ssettag $0x2  }
0x147: {  	s0 =	rddreg [dreg:$0x0];
	s2 =	stileid.u32  }
0x148: {  	s1 =	rddreg [dreg:$0x1];
	p0 =	sne.s32 s2, $0x0  }
0x149: {  	s3 =	rddreg [dreg:$0x2];
	[bflag:$0x3] =	sbarrier.arrive $0xFFFF;
	s2 =	simm.s32 @!p0 $0x1C03  }
0x14a: {  	[timem:s3], [sflag:s2] =	dma.local @!p0 [hbm:s0], s1  }
0x14b: {  	s0 =	simm.s32 @!p0 $0x3  }
0x14c: {  	_ =	swait.ge @!p0 [sflag:s0], s1  }
0x14d: {  	s1 =	ssub.s32 @!p0 $0x0, s1;
	[sflag:s0] =	ssyncset.done @!p0 $0x0  }
0x14e: {  	[sflag:s0] =	ssyncadd.s32 @!p0 s1  }
0x14f: {  	[bflag:$0x3] =	sbarrier.arrive $0xFFFF  }
0x150: {  	_ =	shalt  }

</sc_bundles>
